<compile_context>
chip_gen: v7x
topology: tpu7x:2x2x1
jax: 0.10.2.dev20260603
libtpu: 0.0.44.dev20260713+nightly
codegen_flags: <defaults>
</compile_context>

<pallas_src>
import functools

import jax
import jax.numpy as jnp
from jax import lax
from jax.experimental import pallas as pl
from jax.experimental.pallas import tpu as pltpu
from jax.experimental.pallas import tpu_sc as plsc

B = 4
S = 2048
F = 1024
NJ = F // 16
QPB = 8
RPB = 256 * QPB
NSTEP = (B * S) // RPB
CPS = RPB // 64
NC = (B * S) // 64
NT = 32


def _rsqrt_sqrt(v):
    v = jnp.maximum(v, 1e-30)
    i = lax.bitcast_convert_type(v, jnp.int32)
    y = lax.bitcast_convert_type(jnp.int32(0x5F3759DF) - (i >> 1), jnp.float32)
    for _ in range(3):
        y = y * (1.5 - 0.5 * v * y * y)
    return v * y


def _tc_body(x_ref, sr):
    x = x_ref[...]
    x2 = x * x
    step = pl.program_id(0)

    rows = []
    for c in range(CPS):
        cg = step * CPS + c
        cs1 = jnp.sum(x[c * 64:(c + 1) * 64], axis=0, keepdims=True)
        cs2 = jnp.sum(x2[c * 64:(c + 1) * 64], axis=0, keepdims=True)
        corr = jnp.where((cg % 32) == 31, 0.01, 0.0)
        v = x[c * 64 + 63:c * 64 + 64]
        rows.append(cs1 - corr * v)
        rows.append(cs2 - corr * (v * v))
    sr[...] = jnp.concatenate(rows, axis=0)


def _sc_body(s_hbm, m8o, v8o, m16o, v16o, m32o, v32o,
             a, stm8, stv8, stm16, stv16, stm32, stv32,
             sem0, sem1):
    cid = lax.axis_index("c")
    sid = lax.axis_index("s")
    q = cid * 16 + sid

    pltpu.async_copy(s_hbm.at[pl.ds(q * 8, 8), :], a, sem0).wait()

    is_last_q = (q % 8) == 7
    iw32 = [1.0 / 64.0, 1.0 / 64.0, 1.0 / 64.0,
            jnp.where(is_last_q, 1.0 / 63.99, 1.0 / 64.0)]
    iw16 = [1.0 / 128.0,
            jnp.where(is_last_q, 1.0 / 127.99, 1.0 / 128.0)]
    iw8 = jnp.where(is_last_q, 1.0 / 255.99, 1.0 / 256.0)

    def fin(j, _):
        dsl = pl.ds(j * 16, 16)
        t1 = [a[2 * c, dsl] for c in range(4)]
        t2 = [a[2 * c + 1, dsl] for c in range(4)]
        m32 = [t1[c] * iw32[c] for c in range(4)]
        v32 = [_rsqrt_sqrt(t2[c] * iw32[c] - m32[c] * m32[c])
               for c in range(4)]
        p1 = [t1[0] + t1[1], t1[2] + t1[3]]
        p2 = [t2[0] + t2[1], t2[2] + t2[3]]
        m16 = [p1[i] * iw16[i] for i in range(2)]
        v16 = [_rsqrt_sqrt(p2[i] * iw16[i] - m16[i] * m16[i])
               for i in range(2)]
        u1 = p1[0] + p1[1]
        u2 = p2[0] + p2[1]
        m8 = u1 * iw8
        v8 = _rsqrt_sqrt(u2 * iw8 - m8 * m8)
        stm8[0, dsl] = m8
        stv8[0, dsl] = v8
        for i in range(2):
            stm16[i, dsl] = m16[i]
            stv16[i, dsl] = v16[i]
        for c in range(4):
            stm32[c, dsl] = m32[c]
            stv32[c, dsl] = v32[c]
        return 0
    lax.fori_loop(0, NJ, fin, 0, unroll=False)

    cps = [
        pltpu.async_copy(stm8, m8o.at[q], sem0),
        pltpu.async_copy(stv8, v8o.at[q], sem0),
        pltpu.async_copy(stm16, m16o.at[q], sem0),
        pltpu.async_copy(stv16, v16o.at[q], sem0),
        pltpu.async_copy(stm32, m32o.at[q], sem0),
        pltpu.async_copy(stv32, v32o.at[q], sem0),
    ]
    for cp in cps:
        cp.wait()


@jax.jit
def kernel(x, blocks_score_0, blocks_score_1, blocks_score_2):
    del blocks_score_0, blocks_score_1, blocks_score_2
    f32 = jnp.float32

    so = pl.pallas_call(
        _tc_body,
        grid=(NSTEP,),
        in_specs=[pl.BlockSpec((RPB, F), lambda s: (s, 0))],
        out_specs=pl.BlockSpec((2 * CPS, F), lambda s: (s, 0)),
        out_shape=jax.ShapeDtypeStruct((2 * NC, F), f32),
    )(x.reshape(B * S, F))

    mesh = plsc.VectorSubcoreMesh(core_axis_name="c", subcore_axis_name="s")
    run = functools.partial(
        pl.kernel,
        mesh=mesh,
        out_type=[
            jax.ShapeDtypeStruct((NT, 1, F), f32),
            jax.ShapeDtypeStruct((NT, 1, F), f32),
            jax.ShapeDtypeStruct((NT, 2, F), f32),
            jax.ShapeDtypeStruct((NT, 2, F), f32),
            jax.ShapeDtypeStruct((NT, 4, F), f32),
            jax.ShapeDtypeStruct((NT, 4, F), f32),
        ],
        scratch_types=[
            pltpu.VMEM((8, F), f32),
            pltpu.VMEM((1, F), f32),
            pltpu.VMEM((1, F), f32),
            pltpu.VMEM((2, F), f32),
            pltpu.VMEM((2, F), f32),
            pltpu.VMEM((4, F), f32),
            pltpu.VMEM((4, F), f32),
            pltpu.SemaphoreType.DMA,
            pltpu.SemaphoreType.DMA,
        ],
    )(_sc_body)
    m8, v8, m16, v16, m32, v32 = run(so)

    return jnp.concatenate(
        [m8.reshape(B, 8, F), v8.reshape(B, 8, F),
         m16.reshape(B, 16, F), v16.reshape(B, 16, F),
         m32.reshape(B, 32, F), v32.reshape(B, 32, F)], axis=1)

# --- scband reference (transcript-rebuilt; emitter-appended) ---
"""Pipeline reference for scband-vplayer-71373766525316 (READ-ONLY COPY).

The authoritative reference and input builder live on the scoring server;
editing this copy changes nothing except your own understanding.
"""

import jax, jax.numpy as jnp
import numpy as np
import math

BLOCKS_NUM_LIST = [8, 16, 32]
FACTOR = 10


def setup_inputs(seed: int = 0) -> dict:
    key = jax.random.key(seed)
    x = jax.random.normal(key, (4, 2048, 1024), dtype=jnp.float32)
    inp = {"x": x}
    for i, k in enumerate(BLOCKS_NUM_LIST):
        inp[f"blocks_score_{i}"] = jnp.zeros((k,), dtype=jnp.float32)
    return inp


def _block_pos(bs, num_seq):
    s = np.zeros(bs.shape, dtype=np.float32) * FACTOR
    e = np.exp(s - s.max())
    pct = e / e.sum()
    pos = np.concatenate([np.array([0.0]), np.cumsum(pct) * num_seq])
    return [float(v) for v in pos]


def _integrate_mean(x, p, q):
    S = x.shape[1]
    q = min(q, S - 0.01)
    if math.floor(p) == math.floor(q):
        return x[:, int(math.floor(p))]
    p_floor = math.floor(p)
    q_floor = math.floor(q)
    floor_values = x[:, int(p_floor)] * (math.ceil(p) - p)
    ceil_values = x[:, int(q_floor)] * (q - q_floor)
    lo, hi = int(math.ceil(p)), int(math.floor(q))
    med_values = x[:, lo:hi].sum(axis=1) if hi > lo else 0.0
    return (med_values + floor_values + ceil_values) / (q - p)


def _integrate_var(x, p, q, mean):
    S = x.shape[1]
    q = min(q, S - 0.01)
    if math.floor(p) == math.floor(q):
        return (x[:, int(math.floor(p))] - mean) ** 2
    p_floor = math.floor(p)
    q_floor = math.floor(q)
    floor_values = (x[:, int(p_floor)] - mean) ** 2 * (math.ceil(p) - p)
    ceil_values = (x[:, int(q_floor)] - mean) ** 2 * (q - q_floor)
    lo, hi = int(math.ceil(p)), int(math.floor(q))
    med_values_sq = ((x[:, lo:hi] - mean[:, None, :]) ** 2).sum(axis=1) if hi > lo else 0.0
    return jnp.sqrt((med_values_sq + floor_values + ceil_values) / (q - p))


def _forward(x, pos_lists):
    result = []
    for pos in pos_lists:
        mean = jnp.stack([_integrate_mean(x, pos[j], pos[j + 1]) for j in range(len(pos) - 1)], axis=1)
        result.append(mean)
        var = jnp.stack([_integrate_var(x, pos[j], pos[j + 1], mean[:, j, :]) for j in range(len(pos) - 1)], axis=1)
        result.append(var)
    return jnp.concatenate(result, axis=1)


def reference(x, blocks_score_0, blocks_score_1, blocks_score_2):
    num_seq = x.shape[1]
    pos_lists = [_block_pos(bs, num_seq) for bs in (blocks_score_0, blocks_score_1, blocks_score_2)]
    zero = (blocks_score_0.sum() + blocks_score_1.sum() + blocks_score_2.sum()) * 0.0
    return _forward(x * (1.0 + zero), pos_lists)

if __name__ == "__main__":
    import jax
    _d = setup_inputs()
    print(jax.jit(kernel)(*tuple(_d.values())))

</pallas_src>

<mosaic_0001>
#map = affine_map<(d0, d1) -> (0, 0)>
#map1 = affine_map<(d0, d1) -> (0, 0, 0)>
module attributes {stable_mosaic.version = 14 : i64} {
  func.func @_sc_body(%arg0: i32, %arg1: i32, %arg2: memref<256x1024xf32, #tpu.memory_space<hbm>>, %arg3: memref<32x1x1024xf32, #tpu.memory_space<hbm>>, %arg4: memref<32x1x1024xf32, #tpu.memory_space<hbm>>, %arg5: memref<32x2x1024xf32, #tpu.memory_space<hbm>>, %arg6: memref<32x2x1024xf32, #tpu.memory_space<hbm>>, %arg7: memref<32x4x1024xf32, #tpu.memory_space<hbm>>, %arg8: memref<32x4x1024xf32, #tpu.memory_space<hbm>>, %arg9: memref<8x1024xf32, #tpu.memory_space<vmem>>, %arg10: memref<1x1024xf32, #tpu.memory_space<vmem>>, %arg11: memref<1x1024xf32, #tpu.memory_space<vmem>>, %arg12: memref<2x1024xf32, #tpu.memory_space<vmem>>, %arg13: memref<2x1024xf32, #tpu.memory_space<vmem>>, %arg14: memref<4x1024xf32, #tpu.memory_space<vmem>>, %arg15: memref<4x1024xf32, #tpu.memory_space<vmem>>, %arg16: memref<!tpu.dma_semaphore, #tpu.memory_space<semaphore_mem>>, %arg17: memref<!tpu.dma_semaphore, #tpu.memory_space<semaphore_mem>>) attributes {dimension_semantics = [#tpu.dimension_semantics<core_parallel>, #tpu.dimension_semantics<subcore_parallel>], iteration_bounds = array<i64: 2, 16>, scalar_prefetch = 0 : i64, scratch_operands = 9 : i64, tpu.core_type = #tpu.core_type<sc_vector_subcore>, window_params = [{transform_indices = #map}, {transform_indices = #map1}, {transform_indices = #map1}, {transform_indices = #map1}, {transform_indices = #map1}, {transform_indices = #map1}, {transform_indices = #map1}]} {
    %mul3A = arith.constant 16 : i32
    %mul3A_0 = arith.muli %arg0, %mul3A : i32
    %add3A = arith.addi %mul3A_0, %arg1 : i32
    %mul3A_1 = arith.constant 8 : i32
    %mul3A_2 = arith.muli %add3A, %mul3A_1 : i32
    %dma_start3A = arith.constant 0 : i32
    %dma_start3A_3 = tpu.memref_slice %arg2[%mul3A_2, %dma_start3A] : memref<256x1024xf32, #tpu.memory_space<hbm>> -> memref<8x1024xf32, #tpu.memory_space<hbm>>
    %dma_start3A_4 = arith.constant 0 : i32
    %dma_start3A_5 = tpu.memref_slice %arg2[%mul3A_2, %dma_start3A_4] : memref<256x1024xf32, #tpu.memory_space<hbm>> -> memref<8x1024xf32, #tpu.memory_space<hbm>>
    tpu.enqueue_dma source(%dma_start3A_5 : memref<8x1024xf32, #tpu.memory_space<hbm>>) target(%arg9 : memref<8x1024xf32, #tpu.memory_space<vmem>>) target_semaphore(%arg16 : memref<!tpu.dma_semaphore, #tpu.memory_space<semaphore_mem>>)
    %dma_wait3A = arith.constant 0 : i32
    %dma_wait3A_6 = tpu.memref_slice %arg2[%mul3A_2, %dma_wait3A] : memref<256x1024xf32, #tpu.memory_space<hbm>> -> memref<8x1024xf32, #tpu.memory_space<hbm>>
    %dma_wait3A_7 = arith.constant 0 : i32
    %dma_wait3A_8 = tpu.memref_slice %arg2[%mul3A_2, %dma_wait3A_7] : memref<256x1024xf32, #tpu.memory_space<hbm>> -> memref<8x1024xf32, #tpu.memory_space<hbm>>
    tpu.wait_dma2 semaphore(%arg16 : memref<!tpu.dma_semaphore, #tpu.memory_space<semaphore_mem>>) src(%dma_wait3A_8 : memref<8x1024xf32, #tpu.memory_space<hbm>>) dst(%arg9 : memref<8x1024xf32, #tpu.memory_space<vmem>>)
    %jit3A = arith.constant 8 : i32
    %eq3A = arith.constant 0 : i32
    %eq3A_9 = arith.cmpi eq, %jit3A, %eq3A : i32
    %jit3A_10 = arith.constant 1 : i32
    %select_n3A = arith.select %eq3A_9, %jit3A_10, %jit3A : i32
    %rem3A = arith.remsi %add3A, %select_n3A : i32
    %ne3A = arith.constant 0 : i32
    %ne3A_11 = arith.cmpi ne, %rem3A, %ne3A : i32
    %lt3A = arith.constant 0 : i32
    %lt3A_12 = arith.cmpi slt, %rem3A, %lt3A : i32
    %lt3A_13 = arith.constant 0 : i32
    %lt3A_14 = arith.cmpi slt, %select_n3A, %lt3A_13 : i32
    %ne3A_15 = arith.xori %lt3A_12, %lt3A_14 : i1
    %and3A = arith.andi %ne3A_15, %ne3A_11 : i1
    %add3A_16 = arith.addi %rem3A, %select_n3A : i32
    %select_n3A_17 = arith.select %and3A, %add3A_16, %rem3A : i32
    %eq3A_18 = arith.constant 7 : i32
    %eq3A_19 = arith.cmpi eq, %select_n3A_17, %eq3A_18 : i32
    %jit3A_20 = arith.constant 0.0156274419 : f32
    %jit3A_21 = arith.constant 1.562500e-02 : f32
    %select_n3A_22 = arith.select %eq3A_19, %jit3A_20, %jit3A_21 : f32
    %jit3A_23 = arith.constant 7.813110e-03 : f32
    %jit3A_24 = arith.constant 7.812500e-03 : f32
    %select_n3A_25 = arith.select %eq3A_19, %jit3A_23, %jit3A_24 : f32
    %jit3A_26 = arith.constant 0.00390640274 : f32
    %jit3A_27 = arith.constant 3.906250e-03 : f32
    %select_n3A_28 = arith.select %eq3A_19, %jit3A_26, %jit3A_27 : f32
    %scan3A = arith.constant 0 : i32
    %scan3A_29 = arith.constant 0 : i32
    %scan3A_30 = arith.constant 64 : i32
    %scan3A_31 = arith.addi %scan3A_29, %scan3A_30 : i32
    %scan3A_32 = arith.constant 1 : i32
    %scan3A_33 = scf.for %scan3A_131 = %scan3A_29 to %scan3A_31 step %scan3A_32 iter_args(%scan3A_132 = %scan3A) -> (i32)  : i32 {
      %mul3A_133 = arith.constant 16 : i32
      %mul3A_134 = arith.muli %scan3A_131, %mul3A_133 : i32
      %get3A = arith.constant 0 : i32
      %get3A_135 = arith.index_cast %get3A : i32 to index
      %get3A_136 = arith.index_cast %mul3A_134 : i32 to index
      %get3A_137 = tpu.vector_load %arg9[%get3A_135, %get3A_136] {strides = array<i32>} : memref<8x1024xf32, #tpu.memory_space<vmem>>, vector<1x16xf32>,
      %get3A_138 = vector.shape_cast %get3A_137 : vector<1x16xf32> to vector<16xf32>
      %get3A_139 = arith.constant 2 : i32
      %get3A_140 = arith.index_cast %get3A_139 : i32 to index
      %get3A_141 = arith.index_cast %mul3A_134 : i32 to index
      %get3A_142 = tpu.vector_load %arg9[%get3A_140, %get3A_141] {strides = array<i32>} : memref<8x1024xf32, #tpu.memory_space<vmem>>, vector<1x16xf32>,
      %get3A_143 = vector.shape_cast %get3A_142 : vector<1x16xf32> to vector<16xf32>
      %get3A_144 = arith.constant 4 : i32
      %get3A_145 = arith.index_cast %get3A_144 : i32 to index
      %get3A_146 = arith.index_cast %mul3A_134 : i32 to index
      %get3A_147 = tpu.vector_load %arg9[%get3A_145, %get3A_146] {strides = array<i32>} : memref<8x1024xf32, #tpu.memory_space<vmem>>, vector<1x16xf32>,
      %get3A_148 = vector.shape_cast %get3A_147 : vector<1x16xf32> to vector<16xf32>
      %get3A_149 = arith.constant 6 : i32
      %get3A_150 = arith.index_cast %get3A_149 : i32 to index
      %get3A_151 = arith.index_cast %mul3A_134 : i32 to index
      %get3A_152 = tpu.vector_load %arg9[%get3A_150, %get3A_151] {strides = array<i32>} : memref<8x1024xf32, #tpu.memory_space<vmem>>, vector<1x16xf32>,
      %get3A_153 = vector.shape_cast %get3A_152 : vector<1x16xf32> to vector<16xf32>
      %get3A_154 = arith.constant 1 : i32
      %get3A_155 = arith.index_cast %get3A_154 : i32 to index
      %get3A_156 = arith.index_cast %mul3A_134 : i32 to index
      %get3A_157 = tpu.vector_load %arg9[%get3A_155, %get3A_156] {strides = array<i32>} : memref<8x1024xf32, #tpu.memory_space<vmem>>, vector<1x16xf32>,
      %get3A_158 = vector.shape_cast %get3A_157 : vector<1x16xf32> to vector<16xf32>
      %get3A_159 = arith.constant 3 : i32
      %get3A_160 = arith.index_cast %get3A_159 : i32 to index
      %get3A_161 = arith.index_cast %mul3A_134 : i32 to index
      %get3A_162 = tpu.vector_load %arg9[%get3A_160, %get3A_161] {strides = array<i32>} : memref<8x1024xf32, #tpu.memory_space<vmem>>, vector<1x16xf32>,
      %get3A_163 = vector.shape_cast %get3A_162 : vector<1x16xf32> to vector<16xf32>
      %get3A_164 = arith.constant 5 : i32
      %get3A_165 = arith.index_cast %get3A_164 : i32 to index
      %get3A_166 = arith.index_cast %mul3A_134 : i32 to index
      %get3A_167 = tpu.vector_load %arg9[%get3A_165, %get3A_166] {strides = array<i32>} : memref<8x1024xf32, #tpu.memory_space<vmem>>, vector<1x16xf32>,
      %get3A_168 = vector.shape_cast %get3A_167 : vector<1x16xf32> to vector<16xf32>
      %get3A_169 = arith.constant 7 : i32
      %get3A_170 = arith.index_cast %get3A_169 : i32 to index
      %get3A_171 = arith.index_cast %mul3A_134 : i32 to index
      %get3A_172 = tpu.vector_load %arg9[%get3A_170, %get3A_171] {strides = array<i32>} : memref<8x1024xf32, #tpu.memory_space<vmem>>, vector<1x16xf32>,
      %get3A_173 = vector.shape_cast %get3A_172 : vector<1x16xf32> to vector<16xf32>
      %mul3A_174 = arith.constant 1.562500e-02 : f32
      %mul3A_175 = vector.broadcast %mul3A_174 : f32 to vector<16xf32>
      %mul3A_176 = arith.mulf %get3A_138, %mul3A_175 : vector<16xf32>
      %mul3A_177 = arith.constant 1.562500e-02 : f32
      %mul3A_178 = vector.broadcast %mul3A_177 : f32 to vector<16xf32>
      %mul3A_179 = arith.mulf %get3A_143, %mul3A_178 : vector<16xf32>
      %mul3A_180 = arith.constant 1.562500e-02 : f32
      %mul3A_181 = vector.broadcast %mul3A_180 : f32 to vector<16xf32>
      %mul3A_182 = arith.mulf %get3A_148, %mul3A_181 : vector<16xf32>
      %mul3A_183 = vector.broadcast %select_n3A_22 : f32 to vector<16xf32>
      %mul3A_184 = arith.mulf %get3A_153, %mul3A_183 : vector<16xf32>
      %mul3A_185 = arith.constant 1.562500e-02 : f32
      %mul3A_186 = vector.broadcast %mul3A_185 : f32 to vector<16xf32>
      %mul3A_187 = arith.mulf %get3A_158, %mul3A_186 : vector<16xf32>
      %mul3A_188 = arith.mulf %mul3A_176, %mul3A_176 : vector<16xf32>
      %sub3A = arith.subf %mul3A_187, %mul3A_188 : vector<16xf32>
      %max3A = arith.constant 1.000000e-30 : f32
      %max3A_189 = vector.broadcast %max3A : f32 to vector<16xf32>
      %max3A_190 = arith.maximumf %sub3A, %max3A_189 : vector<16xf32>
      %bitcast_convert_type3A = tpu.bitcast %max3A_190 : vector<16xf32> -> vector<16xi32>
      %shift_right_arithmetic3A = arith.constant 1 : i32
      %shift_right_arithmetic3A_191 = vector.broadcast %shift_right_arithmetic3A : i32 to vector<16xi32>
      %shift_right_arithmetic3A_192 = arith.shrsi %bitcast_convert_type3A, %shift_right_arithmetic3A_191 : vector<16xi32>
      %sub3A_193 = arith.constant 1597463007 : i32
      %sub3A_194 = vector.broadcast %sub3A_193 : i32 to vector<16xi32>
      %sub3A_195 = arith.subi %sub3A_194, %shift_right_arithmetic3A_192 : vector<16xi32>
      %bitcast_convert_type3A_196 = tpu.bitcast %sub3A_195 : vector<16xi32> -> vector<16xf32>
      %mul3A_197 = arith.constant 5.000000e-01 : f32
      %mul3A_198 = vector.broadcast %mul3A_197 : f32 to vector<16xf32>
      %mul3A_199 = arith.mulf %mul3A_198, %max3A_190 : vector<16xf32>
      %mul3A_200 = arith.mulf %mul3A_199, %bitcast_convert_type3A_196 : vector<16xf32>
      %mul3A_201 = arith.mulf %mul3A_200, %bitcast_convert_type3A_196 : vector<16xf32>
      %sub3A_202 = arith.constant 1.500000e+00 : f32
      %sub3A_203 = vector.broadcast %sub3A_202 : f32 to vector<16xf32>
      %sub3A_204 = arith.subf %sub3A_203, %mul3A_201 : vector<16xf32>
      %mul3A_205 = arith.mulf %bitcast_convert_type3A_196, %sub3A_204 : vector<16xf32>
      %mul3A_206 = arith.constant 5.000000e-01 : f32
      %mul3A_207 = vector.broadcast %mul3A_206 : f32 to vector<16xf32>
      %mul3A_208 = arith.mulf %mul3A_207, %max3A_190 : vector<16xf32>
      %mul3A_209 = arith.mulf %mul3A_208, %mul3A_205 : vector<16xf32>
      %mul3A_210 = arith.mulf %mul3A_209, %mul3A_205 : vector<16xf32>
      %sub3A_211 = arith.constant 1.500000e+00 : f32
      %sub3A_212 = vector.broadcast %sub3A_211 : f32 to vector<16xf32>
      %sub3A_213 = arith.subf %sub3A_212, %mul3A_210 : vector<16xf32>
      %mul3A_214 = arith.mulf %mul3A_205, %sub3A_213 : vector<16xf32>
      %mul3A_215 = arith.constant 5.000000e-01 : f32
      %mul3A_216 = vector.broadcast %mul3A_215 : f32 to vector<16xf32>
      %mul3A_217 = arith.mulf %mul3A_216, %max3A_190 : vector<16xf32>
      %mul3A_218 = arith.mulf %mul3A_217, %mul3A_214 : vector<16xf32>
      %mul3A_219 = arith.mulf %mul3A_218, %mul3A_214 : vector<16xf32>
      %sub3A_220 = arith.constant 1.500000e+00 : f32
      %sub3A_221 = vector.broadcast %sub3A_220 : f32 to vector<16xf32>
      %sub3A_222 = arith.subf %sub3A_221, %mul3A_219 : vector<16xf32>
      %mul3A_223 = arith.mulf %mul3A_214, %sub3A_222 : vector<16xf32>
      %mul3A_224 = arith.mulf %max3A_190, %mul3A_223 : vector<16xf32>
      %mul3A_225 = arith.constant 1.562500e-02 : f32
      %mul3A_226 = vector.broadcast %mul3A_225 : f32 to vector<16xf32>
      %mul3A_227 = arith.mulf %get3A_163, %mul3A_226 : vector<16xf32>
      %mul3A_228 = arith.mulf %mul3A_179, %mul3A_179 : vector<16xf32>
      %sub3A_229 = arith.subf %mul3A_227, %mul3A_228 : vector<16xf32>
      %max3A_230 = arith.constant 1.000000e-30 : f32
      %max3A_231 = vector.broadcast %max3A_230 : f32 to vector<16xf32>
      %max3A_232 = arith.maximumf %sub3A_229, %max3A_231 : vector<16xf32>
      %bitcast_convert_type3A_233 = tpu.bitcast %max3A_232 : vector<16xf32> -> vector<16xi32>
      %shift_right_arithmetic3A_234 = arith.constant 1 : i32
      %shift_right_arithmetic3A_235 = vector.broadcast %shift_right_arithmetic3A_234 : i32 to vector<16xi32>
      %shift_right_arithmetic3A_236 = arith.shrsi %bitcast_convert_type3A_233, %shift_right_arithmetic3A_235 : vector<16xi32>
      %sub3A_237 = arith.constant 1597463007 : i32
      %sub3A_238 = vector.broadcast %sub3A_237 : i32 to vector<16xi32>
      %sub3A_239 = arith.subi %sub3A_238, %shift_right_arithmetic3A_236 : vector<16xi32>
      %bitcast_convert_type3A_240 = tpu.bitcast %sub3A_239 : vector<16xi32> -> vector<16xf32>
      %mul3A_241 = arith.constant 5.000000e-01 : f32
      %mul3A_242 = vector.broadcast %mul3A_241 : f32 to vector<16xf32>
      %mul3A_243 = arith.mulf %mul3A_242, %max3A_232 : vector<16xf32>
      %mul3A_244 = arith.mulf %mul3A_243, %bitcast_convert_type3A_240 : vector<16xf32>
      %mul3A_245 = arith.mulf %mul3A_244, %bitcast_convert_type3A_240 : vector<16xf32>
      %sub3A_246 = arith.constant 1.500000e+00 : f32
      %sub3A_247 = vector.broadcast %sub3A_246 : f32 to vector<16xf32>
      %sub3A_248 = arith.subf %sub3A_247, %mul3A_245 : vector<16xf32>
      %mul3A_249 = arith.mulf %bitcast_convert_type3A_240, %sub3A_248 : vector<16xf32>
      %mul3A_250 = arith.constant 5.000000e-01 : f32
      %mul3A_251 = vector.broadcast %mul3A_250 : f32 to vector<16xf32>
      %mul3A_252 = arith.mulf %mul3A_251, %max3A_232 : vector<16xf32>
      %mul3A_253 = arith.mulf %mul3A_252, %mul3A_249 : vector<16xf32>
      %mul3A_254 = arith.mulf %mul3A_253, %mul3A_249 : vector<16xf32>
      %sub3A_255 = arith.constant 1.500000e+00 : f32
      %sub3A_256 = vector.broadcast %sub3A_255 : f32 to vector<16xf32>
      %sub3A_257 = arith.subf %sub3A_256, %mul3A_254 : vector<16xf32>
      %mul3A_258 = arith.mulf %mul3A_249, %sub3A_257 : vector<16xf32>
      %mul3A_259 = arith.constant 5.000000e-01 : f32
      %mul3A_260 = vector.broadcast %mul3A_259 : f32 to vector<16xf32>
      %mul3A_261 = arith.mulf %mul3A_260, %max3A_232 : vector<16xf32>
      %mul3A_262 = arith.mulf %mul3A_261, %mul3A_258 : vector<16xf32>
      %mul3A_263 = arith.mulf %mul3A_262, %mul3A_258 : vector<16xf32>
      %sub3A_264 = arith.constant 1.500000e+00 : f32
      %sub3A_265 = vector.broadcast %sub3A_264 : f32 to vector<16xf32>
      %sub3A_266 = arith.subf %sub3A_265, %mul3A_263 : vector<16xf32>
      %mul3A_267 = arith.mulf %mul3A_258, %sub3A_266 : vector<16xf32>
      %mul3A_268 = arith.mulf %max3A_232, %mul3A_267 : vector<16xf32>
      %mul3A_269 = arith.constant 1.562500e-02 : f32
      %mul3A_270 = vector.broadcast %mul3A_269 : f32 to vector<16xf32>
      %mul3A_271 = arith.mulf %get3A_168, %mul3A_270 : vector<16xf32>
      %mul3A_272 = arith.mulf %mul3A_182, %mul3A_182 : vector<16xf32>
      %sub3A_273 = arith.subf %mul3A_271, %mul3A_272 : vector<16xf32>
      %max3A_274 = arith.constant 1.000000e-30 : f32
      %max3A_275 = vector.broadcast %max3A_274 : f32 to vector<16xf32>
      %max3A_276 = arith.maximumf %sub3A_273, %max3A_275 : vector<16xf32>
      %bitcast_convert_type3A_277 = tpu.bitcast %max3A_276 : vector<16xf32> -> vector<16xi32>
      %shift_right_arithmetic3A_278 = arith.constant 1 : i32
      %shift_right_arithmetic3A_279 = vector.broadcast %shift_right_arithmetic3A_278 : i32 to vector<16xi32>
      %shift_right_arithmetic3A_280 = arith.shrsi %bitcast_convert_type3A_277, %shift_right_arithmetic3A_279 : vector<16xi32>
      %sub3A_281 = arith.constant 1597463007 : i32
      %sub3A_282 = vector.broadcast %sub3A_281 : i32 to vector<16xi32>
      %sub3A_283 = arith.subi %sub3A_282, %shift_right_arithmetic3A_280 : vector<16xi32>
      %bitcast_convert_type3A_284 = tpu.bitcast %sub3A_283 : vector<16xi32> -> vector<16xf32>
      %mul3A_285 = arith.constant 5.000000e-01 : f32
      %mul3A_286 = vector.broadcast %mul3A_285 : f32 to vector<16xf32>
      %mul3A_287 = arith.mulf %mul3A_286, %max3A_276 : vector<16xf32>
      %mul3A_288 = arith.mulf %mul3A_287, %bitcast_convert_type3A_284 : vector<16xf32>
      %mul3A_289 = arith.mulf %mul3A_288, %bitcast_convert_type3A_284 : vector<16xf32>
      %sub3A_290 = arith.constant 1.500000e+00 : f32
      %sub3A_291 = vector.broadcast %sub3A_290 : f32 to vector<16xf32>
      %sub3A_292 = arith.subf %sub3A_291, %mul3A_289 : vector<16xf32>
      %mul3A_293 = arith.mulf %bitcast_convert_type3A_284, %sub3A_292 : vector<16xf32>
      %mul3A_294 = arith.constant 5.000000e-01 : f32
      %mul3A_295 = vector.broadcast %mul3A_294 : f32 to vector<16xf32>
      %mul3A_296 = arith.mulf %mul3A_295, %max3A_276 : vector<16xf32>
      %mul3A_297 = arith.mulf %mul3A_296, %mul3A_293 : vector<16xf32>
      %mul3A_298 = arith.mulf %mul3A_297, %mul3A_293 : vector<16xf32>
      %sub3A_299 = arith.constant 1.500000e+00 : f32
      %sub3A_300 = vector.broadcast %sub3A_299 : f32 to vector<16xf32>
      %sub3A_301 = arith.subf %sub3A_300, %mul3A_298 : vector<16xf32>
      %mul3A_302 = arith.mulf %mul3A_293, %sub3A_301 : vector<16xf32>
      %mul3A_303 = arith.constant 5.000000e-01 : f32
      %mul3A_304 = vector.broadcast %mul3A_303 : f32 to vector<16xf32>
      %mul3A_305 = arith.mulf %mul3A_304, %max3A_276 : vector<16xf32>
      %mul3A_306 = arith.mulf %mul3A_305, %mul3A_302 : vector<16xf32>
      %mul3A_307 = arith.mulf %mul3A_306, %mul3A_302 : vector<16xf32>
      %sub3A_308 = arith.constant 1.500000e+00 : f32
      %sub3A_309 = vector.broadcast %sub3A_308 : f32 to vector<16xf32>
      %sub3A_310 = arith.subf %sub3A_309, %mul3A_307 : vector<16xf32>
      %mul3A_311 = arith.mulf %mul3A_302, %sub3A_310 : vector<16xf32>
      %mul3A_312 = arith.mulf %max3A_276, %mul3A_311 : vector<16xf32>
      %mul3A_313 = vector.broadcast %select_n3A_22 : f32 to vector<16xf32>
      %mul3A_314 = arith.mulf %get3A_173, %mul3A_313 : vector<16xf32>
      %mul3A_315 = arith.mulf %mul3A_184, %mul3A_184 : vector<16xf32>
      %sub3A_316 = arith.subf %mul3A_314, %mul3A_315 : vector<16xf32>
      %max3A_317 = arith.constant 1.000000e-30 : f32
      %max3A_318 = vector.broadcast %max3A_317 : f32 to vector<16xf32>
      %max3A_319 = arith.maximumf %sub3A_316, %max3A_318 : vector<16xf32>
      %bitcast_convert_type3A_320 = tpu.bitcast %max3A_319 : vector<16xf32> -> vector<16xi32>
      %shift_right_arithmetic3A_321 = arith.constant 1 : i32
      %shift_right_arithmetic3A_322 = vector.broadcast %shift_right_arithmetic3A_321 : i32 to vector<16xi32>
      %shift_right_arithmetic3A_323 = arith.shrsi %bitcast_convert_type3A_320, %shift_right_arithmetic3A_322 : vector<16xi32>
      %sub3A_324 = arith.constant 1597463007 : i32
      %sub3A_325 = vector.broadcast %sub3A_324 : i32 to vector<16xi32>
      %sub3A_326 = arith.subi %sub3A_325, %shift_right_arithmetic3A_323 : vector<16xi32>
      %bitcast_convert_type3A_327 = tpu.bitcast %sub3A_326 : vector<16xi32> -> vector<16xf32>
      %mul3A_328 = arith.constant 5.000000e-01 : f32
      %mul3A_329 = vector.broadcast %mul3A_328 : f32 to vector<16xf32>
      %mul3A_330 = arith.mulf %mul3A_329, %max3A_319 : vector<16xf32>
      %mul3A_331 = arith.mulf %mul3A_330, %bitcast_convert_type3A_327 : vector<16xf32>
      %mul3A_332 = arith.mulf %mul3A_331, %bitcast_convert_type3A_327 : vector<16xf32>
      %sub3A_333 = arith.constant 1.500000e+00 : f32
      %sub3A_334 = vector.broadcast %sub3A_333 : f32 to vector<16xf32>
      %sub3A_335 = arith.subf %sub3A_334, %mul3A_332 : vector<16xf32>
      %mul3A_336 = arith.mulf %bitcast_convert_type3A_327, %sub3A_335 : vector<16xf32>
      %mul3A_337 = arith.constant 5.000000e-01 : f32
      %mul3A_338 = vector.broadcast %mul3A_337 : f32 to vector<16xf32>
      %mul3A_339 = arith.mulf %mul3A_338, %max3A_319 : vector<16xf32>
      %mul3A_340 = arith.mulf %mul3A_339, %mul3A_336 : vector<16xf32>
      %mul3A_341 = arith.mulf %mul3A_340, %mul3A_336 : vector<16xf32>
      %sub3A_342 = arith.constant 1.500000e+00 : f32
      %sub3A_343 = vector.broadcast %sub3A_342 : f32 to vector<16xf32>
      %sub3A_344 = arith.subf %sub3A_343, %mul3A_341 : vector<16xf32>
      %mul3A_345 = arith.mulf %mul3A_336, %sub3A_344 : vector<16xf32>
      %mul3A_346 = arith.constant 5.000000e-01 : f32
      %mul3A_347 = vector.broadcast %mul3A_346 : f32 to vector<16xf32>
      %mul3A_348 = arith.mulf %mul3A_347, %max3A_319 : vector<16xf32>
      %mul3A_349 = arith.mulf %mul3A_348, %mul3A_345 : vector<16xf32>
      %mul3A_350 = arith.mulf %mul3A_349, %mul3A_345 : vector<16xf32>
      %sub3A_351 = arith.constant 1.500000e+00 : f32
      %sub3A_352 = vector.broadcast %sub3A_351 : f32 to vector<16xf32>
      %sub3A_353 = arith.subf %sub3A_352, %mul3A_350 : vector<16xf32>
      %mul3A_354 = arith.mulf %mul3A_345, %sub3A_353 : vector<16xf32>
      %mul3A_355 = arith.mulf %max3A_319, %mul3A_354 : vector<16xf32>
      %add3A_356 = arith.addf %get3A_138, %get3A_143 : vector<16xf32>
      %add3A_357 = arith.addf %get3A_148, %get3A_153 : vector<16xf32>
      %add3A_358 = arith.addf %get3A_158, %get3A_163 : vector<16xf32>
      %add3A_359 = arith.addf %get3A_168, %get3A_173 : vector<16xf32>
      %mul3A_360 = arith.constant 7.812500e-03 : f32
      %mul3A_361 = vector.broadcast %mul3A_360 : f32 to vector<16xf32>
      %mul3A_362 = arith.mulf %add3A_356, %mul3A_361 : vector<16xf32>
      %mul3A_363 = vector.broadcast %select_n3A_25 : f32 to vector<16xf32>
      %mul3A_364 = arith.mulf %add3A_357, %mul3A_363 : vector<16xf32>
      %mul3A_365 = arith.constant 7.812500e-03 : f32
      %mul3A_366 = vector.broadcast %mul3A_365 : f32 to vector<16xf32>
      %mul3A_367 = arith.mulf %add3A_358, %mul3A_366 : vector<16xf32>
      %mul3A_368 = arith.mulf %mul3A_362, %mul3A_362 : vector<16xf32>
      %sub3A_369 = arith.subf %mul3A_367, %mul3A_368 : vector<16xf32>
      %max3A_370 = arith.constant 1.000000e-30 : f32
      %max3A_371 = vector.broadcast %max3A_370 : f32 to vector<16xf32>
      %max3A_372 = arith.maximumf %sub3A_369, %max3A_371 : vector<16xf32>
      %bitcast_convert_type3A_373 = tpu.bitcast %max3A_372 : vector<16xf32> -> vector<16xi32>
      %shift_right_arithmetic3A_374 = arith.constant 1 : i32
      %shift_right_arithmetic3A_375 = vector.broadcast %shift_right_arithmetic3A_374 : i32 to vector<16xi32>
      %shift_right_arithmetic3A_376 = arith.shrsi %bitcast_convert_type3A_373, %shift_right_arithmetic3A_375 : vector<16xi32>
      %sub3A_377 = arith.constant 1597463007 : i32
      %sub3A_378 = vector.broadcast %sub3A_377 : i32 to vector<16xi32>
      %sub3A_379 = arith.subi %sub3A_378, %shift_right_arithmetic3A_376 : vector<16xi32>
      %bitcast_convert_type3A_380 = tpu.bitcast %sub3A_379 : vector<16xi32> -> vector<16xf32>
      %mul3A_381 = arith.constant 5.000000e-01 : f32
      %mul3A_382 = vector.broadcast %mul3A_381 : f32 to vector<16xf32>
      %mul3A_383 = arith.mulf %mul3A_382, %max3A_372 : vector<16xf32>
      %mul3A_384 = arith.mulf %mul3A_383, %bitcast_convert_type3A_380 : vector<16xf32>
      %mul3A_385 = arith.mulf %mul3A_384, %bitcast_convert_type3A_380 : vector<16xf32>
      %sub3A_386 = arith.constant 1.500000e+00 : f32
      %sub3A_387 = vector.broadcast %sub3A_386 : f32 to vector<16xf32>
      %sub3A_388 = arith.subf %sub3A_387, %mul3A_385 : vector<16xf32>
      %mul3A_389 = arith.mulf %bitcast_convert_type3A_380, %sub3A_388 : vector<16xf32>
      %mul3A_390 = arith.constant 5.000000e-01 : f32
      %mul3A_391 = vector.broadcast %mul3A_390 : f32 to vector<16xf32>
      %mul3A_392 = arith.mulf %mul3A_391, %max3A_372 : vector<16xf32>
      %mul3A_393 = arith.mulf %mul3A_392, %mul3A_389 : vector<16xf32>
      %mul3A_394 = arith.mulf %mul3A_393, %mul3A_389 : vector<16xf32>
      %sub3A_395 = arith.constant 1.500000e+00 : f32
      %sub3A_396 = vector.broadcast %sub3A_395 : f32 to vector<16xf32>
      %sub3A_397 = arith.subf %sub3A_396, %mul3A_394 : vector<16xf32>
      %mul3A_398 = arith.mulf %mul3A_389, %sub3A_397 : vector<16xf32>
      %mul3A_399 = arith.constant 5.000000e-01 : f32
      %mul3A_400 = vector.broadcast %mul3A_399 : f32 to vector<16xf32>
      %mul3A_401 = arith.mulf %mul3A_400, %max3A_372 : vector<16xf32>
      %mul3A_402 = arith.mulf %mul3A_401, %mul3A_398 : vector<16xf32>
      %mul3A_403 = arith.mulf %mul3A_402, %mul3A_398 : vector<16xf32>
      %sub3A_404 = arith.constant 1.500000e+00 : f32
      %sub3A_405 = vector.broadcast %sub3A_404 : f32 to vector<16xf32>
      %sub3A_406 = arith.subf %sub3A_405, %mul3A_403 : vector<16xf32>
      %mul3A_407 = arith.mulf %mul3A_398, %sub3A_406 : vector<16xf32>
      %mul3A_408 = arith.mulf %max3A_372, %mul3A_407 : vector<16xf32>
      %mul3A_409 = vector.broadcast %select_n3A_25 : f32 to vector<16xf32>
      %mul3A_410 = arith.mulf %add3A_359, %mul3A_409 : vector<16xf32>
      %mul3A_411 = arith.mulf %mul3A_364, %mul3A_364 : vector<16xf32>
      %sub3A_412 = arith.subf %mul3A_410, %mul3A_411 : vector<16xf32>
      %max3A_413 = arith.constant 1.000000e-30 : f32
      %max3A_414 = vector.broadcast %max3A_413 : f32 to vector<16xf32>
      %max3A_415 = arith.maximumf %sub3A_412, %max3A_414 : vector<16xf32>
      %bitcast_convert_type3A_416 = tpu.bitcast %max3A_415 : vector<16xf32> -> vector<16xi32>
      %shift_right_arithmetic3A_417 = arith.constant 1 : i32
      %shift_right_arithmetic3A_418 = vector.broadcast %shift_right_arithmetic3A_417 : i32 to vector<16xi32>
      %shift_right_arithmetic3A_419 = arith.shrsi %bitcast_convert_type3A_416, %shift_right_arithmetic3A_418 : vector<16xi32>
      %sub3A_420 = arith.constant 1597463007 : i32
      %sub3A_421 = vector.broadcast %sub3A_420 : i32 to vector<16xi32>
      %sub3A_422 = arith.subi %sub3A_421, %shift_right_arithmetic3A_419 : vector<16xi32>
      %bitcast_convert_type3A_423 = tpu.bitcast %sub3A_422 : vector<16xi32> -> vector<16xf32>
      %mul3A_424 = arith.constant 5.000000e-01 : f32
      %mul3A_425 = vector.broadcast %mul3A_424 : f32 to vector<16xf32>
      %mul3A_426 = arith.mulf %mul3A_425, %max3A_415 : vector<16xf32>
      %mul3A_427 = arith.mulf %mul3A_426, %bitcast_convert_type3A_423 : vector<16xf32>
      %mul3A_428 = arith.mulf %mul3A_427, %bitcast_convert_type3A_423 : vector<16xf32>
      %sub3A_429 = arith.constant 1.500000e+00 : f32
      %sub3A_430 = vector.broadcast %sub3A_429 : f32 to vector<16xf32>
      %sub3A_431 = arith.subf %sub3A_430, %mul3A_428 : vector<16xf32>
      %mul3A_432 = arith.mulf %bitcast_convert_type3A_423, %sub3A_431 : vector<16xf32>
      %mul3A_433 = arith.constant 5.000000e-01 : f32
      %mul3A_434 = vector.broadcast %mul3A_433 : f32 to vector<16xf32>
      %mul3A_435 = arith.mulf %mul3A_434, %max3A_415 : vector<16xf32>
      %mul3A_436 = arith.mulf %mul3A_435, %mul3A_432 : vector<16xf32>
      %mul3A_437 = arith.mulf %mul3A_436, %mul3A_432 : vector<16xf32>
      %sub3A_438 = arith.constant 1.500000e+00 : f32
      %sub3A_439 = vector.broadcast %sub3A_438 : f32 to vector<16xf32>
      %sub3A_440 = arith.subf %sub3A_439, %mul3A_437 : vector<16xf32>
      %mul3A_441 = arith.mulf %mul3A_432, %sub3A_440 : vector<16xf32>
      %mul3A_442 = arith.constant 5.000000e-01 : f32
      %mul3A_443 = vector.broadcast %mul3A_442 : f32 to vector<16xf32>
      %mul3A_444 = arith.mulf %mul3A_443, %max3A_415 : vector<16xf32>
      %mul3A_445 = arith.mulf %mul3A_444, %mul3A_441 : vector<16xf32>
      %mul3A_446 = arith.mulf %mul3A_445, %mul3A_441 : vector<16xf32>
      %sub3A_447 = arith.constant 1.500000e+00 : f32
      %sub3A_448 = vector.broadcast %sub3A_447 : f32 to vector<16xf32>
      %sub3A_449 = arith.subf %sub3A_448, %mul3A_446 : vector<16xf32>
      %mul3A_450 = arith.mulf %mul3A_441, %sub3A_449 : vector<16xf32>
      %mul3A_451 = arith.mulf %max3A_415, %mul3A_450 : vector<16xf32>
      %add3A_452 = arith.addf %add3A_356, %add3A_357 : vector<16xf32>
      %add3A_453 = arith.addf %add3A_358, %add3A_359 : vector<16xf32>
      %mul3A_454 = vector.broadcast %select_n3A_28 : f32 to vector<16xf32>
      %mul3A_455 = arith.mulf %add3A_452, %mul3A_454 : vector<16xf32>
      %mul3A_456 = vector.broadcast %select_n3A_28 : f32 to vector<16xf32>
      %mul3A_457 = arith.mulf %add3A_453, %mul3A_456 : vector<16xf32>
      %mul3A_458 = arith.mulf %mul3A_455, %mul3A_455 : vector<16xf32>
      %sub3A_459 = arith.subf %mul3A_457, %mul3A_458 : vector<16xf32>
      %max3A_460 = arith.constant 1.000000e-30 : f32
      %max3A_461 = vector.broadcast %max3A_460 : f32 to vector<16xf32>
      %max3A_462 = arith.maximumf %sub3A_459, %max3A_461 : vector<16xf32>
      %bitcast_convert_type3A_463 = tpu.bitcast %max3A_462 : vector<16xf32> -> vector<16xi32>
      %shift_right_arithmetic3A_464 = arith.constant 1 : i32
      %shift_right_arithmetic3A_465 = vector.broadcast %shift_right_arithmetic3A_464 : i32 to vector<16xi32>
      %shift_right_arithmetic3A_466 = arith.shrsi %bitcast_convert_type3A_463, %shift_right_arithmetic3A_465 : vector<16xi32>
      %sub3A_467 = arith.constant 1597463007 : i32
      %sub3A_468 = vector.broadcast %sub3A_467 : i32 to vector<16xi32>
      %sub3A_469 = arith.subi %sub3A_468, %shift_right_arithmetic3A_466 : vector<16xi32>
      %bitcast_convert_type3A_470 = tpu.bitcast %sub3A_469 : vector<16xi32> -> vector<16xf32>
      %mul3A_471 = arith.constant 5.000000e-01 : f32
      %mul3A_472 = vector.broadcast %mul3A_471 : f32 to vector<16xf32>
      %mul3A_473 = arith.mulf %mul3A_472, %max3A_462 : vector<16xf32>
      %mul3A_474 = arith.mulf %mul3A_473, %bitcast_convert_type3A_470 : vector<16xf32>
      %mul3A_475 = arith.mulf %mul3A_474, %bitcast_convert_type3A_470 : vector<16xf32>
      %sub3A_476 = arith.constant 1.500000e+00 : f32
      %sub3A_477 = vector.broadcast %sub3A_476 : f32 to vector<16xf32>
      %sub3A_478 = arith.subf %sub3A_477, %mul3A_475 : vector<16xf32>
      %mul3A_479 = arith.mulf %bitcast_convert_type3A_470, %sub3A_478 : vector<16xf32>
      %mul3A_480 = arith.constant 5.000000e-01 : f32
      %mul3A_481 = vector.broadcast %mul3A_480 : f32 to vector<16xf32>
      %mul3A_482 = arith.mulf %mul3A_481, %max3A_462 : vector<16xf32>
      %mul3A_483 = arith.mulf %mul3A_482, %mul3A_479 : vector<16xf32>
      %mul3A_484 = arith.mulf %mul3A_483, %mul3A_479 : vector<16xf32>
      %sub3A_485 = arith.constant 1.500000e+00 : f32
      %sub3A_486 = vector.broadcast %sub3A_485 : f32 to vector<16xf32>
      %sub3A_487 = arith.subf %sub3A_486, %mul3A_484 : vector<16xf32>
      %mul3A_488 = arith.mulf %mul3A_479, %sub3A_487 : vector<16xf32>
      %mul3A_489 = arith.constant 5.000000e-01 : f32
      %mul3A_490 = vector.broadcast %mul3A_489 : f32 to vector<16xf32>
      %mul3A_491 = arith.mulf %mul3A_490, %max3A_462 : vector<16xf32>
      %mul3A_492 = arith.mulf %mul3A_491, %mul3A_488 : vector<16xf32>
      %mul3A_493 = arith.mulf %mul3A_492, %mul3A_488 : vector<16xf32>
      %sub3A_494 = arith.constant 1.500000e+00 : f32
      %sub3A_495 = vector.broadcast %sub3A_494 : f32 to vector<16xf32>
      %sub3A_496 = arith.subf %sub3A_495, %mul3A_493 : vector<16xf32>
      %mul3A_497 = arith.mulf %mul3A_488, %sub3A_496 : vector<16xf32>
      %mul3A_498 = arith.mulf %max3A_462, %mul3A_497 : vector<16xf32>
      %swap3A = arith.constant 0 : i32
      %swap3A_499 = arith.index_cast %swap3A : i32 to index
      %swap3A_500 = arith.index_cast %mul3A_134 : i32 to index
      %swap3A_501 = tpu.vector_load %arg10[%swap3A_499, %swap3A_500] {strides = array<i32>} : memref<1x1024xf32, #tpu.memory_space<vmem>>, vector<1x16xf32>,
      %swap3A_502 = vector.shape_cast %swap3A_501 : vector<1x16xf32> to vector<16xf32>
      %swap3A_503 = vector.shape_cast %mul3A_455 : vector<16xf32> to vector<1x16xf32>
      tpu.vector_store %arg10[%swap3A_499, %swap3A_500], %swap3A_503 {strides = array<i32>} : memref<1x1024xf32, #tpu.memory_space<vmem>>, vector<1x16xf32>,
      %swap3A_504 = arith.constant 0 : i32
      %swap3A_505 = arith.index_cast %swap3A_504 : i32 to index
      %swap3A_506 = arith.index_cast %mul3A_134 : i32 to index
      %swap3A_507 = tpu.vector_load %arg11[%swap3A_505, %swap3A_506] {strides = array<i32>} : memref<1x1024xf32, #tpu.memory_space<vmem>>, vector<1x16xf32>,
      %swap3A_508 = vector.shape_cast %swap3A_507 : vector<1x16xf32> to vector<16xf32>
      %swap3A_509 = vector.shape_cast %mul3A_498 : vector<16xf32> to vector<1x16xf32>
      tpu.vector_store %arg11[%swap3A_505, %swap3A_506], %swap3A_509 {strides = array<i32>} : memref<1x1024xf32, #tpu.memory_space<vmem>>, vector<1x16xf32>,
      %swap3A_510 = arith.constant 0 : i32
      %swap3A_511 = arith.index_cast %swap3A_510 : i32 to index
      %swap3A_512 = arith.index_cast %mul3A_134 : i32 to index
      %swap3A_513 = tpu.vector_load %arg12[%swap3A_511, %swap3A_512] {strides = array<i32>} : memref<2x1024xf32, #tpu.memory_space<vmem>>, vector<1x16xf32>,
      %swap3A_514 = vector.shape_cast %swap3A_513 : vector<1x16xf32> to vector<16xf32>
      %swap3A_515 = vector.shape_cast %mul3A_362 : vector<16xf32> to vector<1x16xf32>
      tpu.vector_store %arg12[%swap3A_511, %swap3A_512], %swap3A_515 {strides = array<i32>} : memref<2x1024xf32, #tpu.memory_space<vmem>>, vector<1x16xf32>,
      %swap3A_516 = arith.constant 0 : i32
      %swap3A_517 = arith.index_cast %swap3A_516 : i32 to index
      %swap3A_518 = arith.index_cast %mul3A_134 : i32 to index
      %swap3A_519 = tpu.vector_load %arg13[%swap3A_517, %swap3A_518] {strides = array<i32>} : memref<2x1024xf32, #tpu.memory_space<vmem>>, vector<1x16xf32>,
      %swap3A_520 = vector.shape_cast %swap3A_519 : vector<1x16xf32> to vector<16xf32>
      %swap3A_521 = vector.shape_cast %mul3A_408 : vector<16xf32> to vector<1x16xf32>
      tpu.vector_store %arg13[%swap3A_517, %swap3A_518], %swap3A_521 {strides = array<i32>} : memref<2x1024xf32, #tpu.memory_space<vmem>>, vector<1x16xf32>,
      %swap3A_522 = arith.constant 1 : i32
      %swap3A_523 = arith.index_cast %swap3A_522 : i32 to index
      %swap3A_524 = arith.index_cast %mul3A_134 : i32 to index
      %swap3A_525 = tpu.vector_load %arg12[%swap3A_523, %swap3A_524] {strides = array<i32>} : memref<2x1024xf32, #tpu.memory_space<vmem>>, vector<1x16xf32>,
      %swap3A_526 = vector.shape_cast %swap3A_525 : vector<1x16xf32> to vector<16xf32>
      %swap3A_527 = vector.shape_cast %mul3A_364 : vector<16xf32> to vector<1x16xf32>
      tpu.vector_store %arg12[%swap3A_523, %swap3A_524], %swap3A_527 {strides = array<i32>} : memref<2x1024xf32, #tpu.memory_space<vmem>>, vector<1x16xf32>,
      %swap3A_528 = arith.constant 1 : i32
      %swap3A_529 = arith.index_cast %swap3A_528 : i32 to index
      %swap3A_530 = arith.index_cast %mul3A_134 : i32 to index
      %swap3A_531 = tpu.vector_load %arg13[%swap3A_529, %swap3A_530] {strides = array<i32>} : memref<2x1024xf32, #tpu.memory_space<vmem>>, vector<1x16xf32>,
      %swap3A_532 = vector.shape_cast %swap3A_531 : vector<1x16xf32> to vector<16xf32>
      %swap3A_533 = vector.shape_cast %mul3A_451 : vector<16xf32> to vector<1x16xf32>
      tpu.vector_store %arg13[%swap3A_529, %swap3A_530], %swap3A_533 {strides = array<i32>} : memref<2x1024xf32, #tpu.memory_space<vmem>>, vector<1x16xf32>,
      %swap3A_534 = arith.constant 0 : i32
      %swap3A_535 = arith.index_cast %swap3A_534 : i32 to index
      %swap3A_536 = arith.index_cast %mul3A_134 : i32 to index
      %swap3A_537 = tpu.vector_load %arg14[%swap3A_535, %swap3A_536] {strides = array<i32>} : memref<4x1024xf32, #tpu.memory_space<vmem>>, vector<1x16xf32>,
      %swap3A_538 = vector.shape_cast %swap3A_537 : vector<1x16xf32> to vector<16xf32>
      %swap3A_539 = vector.shape_cast %mul3A_176 : vector<16xf32> to vector<1x16xf32>
      tpu.vector_store %arg14[%swap3A_535, %swap3A_536], %swap3A_539 {strides = array<i32>} : memref<4x1024xf32, #tpu.memory_space<vmem>>, vector<1x16xf32>,
      %swap3A_540 = arith.constant 0 : i32
      %swap3A_541 = arith.index_cast %swap3A_540 : i32 to index
      %swap3A_542 = arith.index_cast %mul3A_134 : i32 to index
      %swap3A_543 = tpu.vector_load %arg15[%swap3A_541, %swap3A_542] {strides = array<i32>} : memref<4x1024xf32, #tpu.memory_space<vmem>>, vector<1x16xf32>,
      %swap3A_544 = vector.shape_cast %swap3A_543 : vector<1x16xf32> to vector<16xf32>
      %swap3A_545 = vector.shape_cast %mul3A_224 : vector<16xf32> to vector<1x16xf32>
      tpu.vector_store %arg15[%swap3A_541, %swap3A_542], %swap3A_545 {strides = array<i32>} : memref<4x1024xf32, #tpu.memory_space<vmem>>, vector<1x16xf32>,
      %swap3A_546 = arith.constant 1 : i32
      %swap3A_547 = arith.index_cast %swap3A_546 : i32 to index
      %swap3A_548 = arith.index_cast %mul3A_134 : i32 to index
      %swap3A_549 = tpu.vector_load %arg14[%swap3A_547, %swap3A_548] {strides = array<i32>} : memref<4x1024xf32, #tpu.memory_space<vmem>>, vector<1x16xf32>,
      %swap3A_550 = vector.shape_cast %swap3A_549 : vector<1x16xf32> to vector<16xf32>
      %swap3A_551 = vector.shape_cast %mul3A_179 : vector<16xf32> to vector<1x16xf32>
      tpu.vector_store %arg14[%swap3A_547, %swap3A_548], %swap3A_551 {strides = array<i32>} : memref<4x1024xf32, #tpu.memory_space<vmem>>, vector<1x16xf32>,
      %swap3A_552 = arith.constant 1 : i32
      %swap3A_553 = arith.index_cast %swap3A_552 : i32 to index
      %swap3A_554 = arith.index_cast %mul3A_134 : i32 to index
      %swap3A_555 = tpu.vector_load %arg15[%swap3A_553, %swap3A_554] {strides = array<i32>} : memref<4x1024xf32, #tpu.memory_space<vmem>>, vector<1x16xf32>,
      %swap3A_556 = vector.shape_cast %swap3A_555 : vector<1x16xf32> to vector<16xf32>
      %swap3A_557 = vector.shape_cast %mul3A_268 : vector<16xf32> to vector<1x16xf32>
      tpu.vector_store %arg15[%swap3A_553, %swap3A_554], %swap3A_557 {strides = array<i32>} : memref<4x1024xf32, #tpu.memory_space<vmem>>, vector<1x16xf32>,
      %swap3A_558 = arith.constant 2 : i32
      %swap3A_559 = arith.index_cast %swap3A_558 : i32 to index
      %swap3A_560 = arith.index_cast %mul3A_134 : i32 to index
      %swap3A_561 = tpu.vector_load %arg14[%swap3A_559, %swap3A_560] {strides = array<i32>} : memref<4x1024xf32, #tpu.memory_space<vmem>>, vector<1x16xf32>,
      %swap3A_562 = vector.shape_cast %swap3A_561 : vector<1x16xf32> to vector<16xf32>
      %swap3A_563 = vector.shape_cast %mul3A_182 : vector<16xf32> to vector<1x16xf32>
      tpu.vector_store %arg14[%swap3A_559, %swap3A_560], %swap3A_563 {strides = array<i32>} : memref<4x1024xf32, #tpu.memory_space<vmem>>, vector<1x16xf32>,
      %swap3A_564 = arith.constant 2 : i32
      %swap3A_565 = arith.index_cast %swap3A_564 : i32 to index
      %swap3A_566 = arith.index_cast %mul3A_134 : i32 to index
      %swap3A_567 = tpu.vector_load %arg15[%swap3A_565, %swap3A_566] {strides = array<i32>} : memref<4x1024xf32, #tpu.memory_space<vmem>>, vector<1x16xf32>,
      %swap3A_568 = vector.shape_cast %swap3A_567 : vector<1x16xf32> to vector<16xf32>
      %swap3A_569 = vector.shape_cast %mul3A_312 : vector<16xf32> to vector<1x16xf32>
      tpu.vector_store %arg15[%swap3A_565, %swap3A_566], %swap3A_569 {strides = array<i32>} : memref<4x1024xf32, #tpu.memory_space<vmem>>, vector<1x16xf32>,
      %swap3A_570 = arith.constant 3 : i32
      %swap3A_571 = arith.index_cast %swap3A_570 : i32 to index
      %swap3A_572 = arith.index_cast %mul3A_134 : i32 to index
      %swap3A_573 = tpu.vector_load %arg14[%swap3A_571, %swap3A_572] {strides = array<i32>} : memref<4x1024xf32, #tpu.memory_space<vmem>>, vector<1x16xf32>,
      %swap3A_574 = vector.shape_cast %swap3A_573 : vector<1x16xf32> to vector<16xf32>
      %swap3A_575 = vector.shape_cast %mul3A_184 : vector<16xf32> to vector<1x16xf32>
      tpu.vector_store %arg14[%swap3A_571, %swap3A_572], %swap3A_575 {strides = array<i32>} : memref<4x1024xf32, #tpu.memory_space<vmem>>, vector<1x16xf32>,
      %swap3A_576 = arith.constant 3 : i32
      %swap3A_577 = arith.index_cast %swap3A_576 : i32 to index
      %swap3A_578 = arith.index_cast %mul3A_134 : i32 to index
      %swap3A_579 = tpu.vector_load %arg15[%swap3A_577, %swap3A_578] {strides = array<i32>} : memref<4x1024xf32, #tpu.memory_space<vmem>>, vector<1x16xf32>,
      %swap3A_580 = vector.shape_cast %swap3A_579 : vector<1x16xf32> to vector<16xf32>
      %swap3A_581 = vector.shape_cast %mul3A_355 : vector<16xf32> to vector<1x16xf32>
      tpu.vector_store %arg15[%swap3A_577, %swap3A_578], %swap3A_581 {strides = array<i32>} : memref<4x1024xf32, #tpu.memory_space<vmem>>, vector<1x16xf32>,
      %scan3A_582 = arith.constant 0 : i32
      scf.yield %scan3A_582 : i32
    }
    %scan3A_34 = arith.constant 64 : i32
    %dma_start3A_35 = arith.constant 0 : i32
    %dma_start3A_36 = arith.constant 0 : i32
    %dma_start3A_37 = tpu.memref_slice %arg3[%add3A, %dma_start3A_35, %dma_start3A_36] : memref<32x1x1024xf32, #tpu.memory_space<hbm>> -> memref<1x1x1024xf32, #tpu.memory_space<hbm>>
    %dma_start3A_38 = tpu.memref_squeeze %dma_start3A_37 : memref<1x1x1024xf32, #tpu.memory_space<hbm>> -> memref<1x1024xf32, #tpu.memory_space<hbm>>
    %dma_start3A_39 = arith.constant 0 : i32
    %dma_start3A_40 = arith.constant 0 : i32
    %dma_start3A_41 = tpu.memref_slice %arg3[%add3A, %dma_start3A_39, %dma_start3A_40] : memref<32x1x1024xf32, #tpu.memory_space<hbm>> -> memref<1x1x1024xf32, #tpu.memory_space<hbm>>
    %dma_start3A_42 = tpu.memref_squeeze %dma_start3A_41 : memref<1x1x1024xf32, #tpu.memory_space<hbm>> -> memref<1x1024xf32, #tpu.memory_space<hbm>>
    tpu.enqueue_dma source(%arg10 : memref<1x1024xf32, #tpu.memory_space<vmem>>) target(%dma_start3A_42 : memref<1x1024xf32, #tpu.memory_space<hbm>>) target_semaphore(%arg16 : memref<!tpu.dma_semaphore, #tpu.memory_space<semaphore_mem>>)
    %dma_start3A_43 = arith.constant 0 : i32
    %dma_start3A_44 = arith.constant 0 : i32
    %dma_start3A_45 = tpu.memref_slice %arg4[%add3A, %dma_start3A_43, %dma_start3A_44] : memref<32x1x1024xf32, #tpu.memory_space<hbm>> -> memref<1x1x1024xf32, #tpu.memory_space<hbm>>
    %dma_start3A_46 = tpu.memref_squeeze %dma_start3A_45 : memref<1x1x1024xf32, #tpu.memory_space<hbm>> -> memref<1x1024xf32, #tpu.memory_space<hbm>>
    %dma_start3A_47 = arith.constant 0 : i32
    %dma_start3A_48 = arith.constant 0 : i32
    %dma_start3A_49 = tpu.memref_slice %arg4[%add3A, %dma_start3A_47, %dma_start3A_48] : memref<32x1x1024xf32, #tpu.memory_space<hbm>> -> memref<1x1x1024xf32, #tpu.memory_space<hbm>>
    %dma_start3A_50 = tpu.memref_squeeze %dma_start3A_49 : memref<1x1x1024xf32, #tpu.memory_space<hbm>> -> memref<1x1024xf32, #tpu.memory_space<hbm>>
    tpu.enqueue_dma source(%arg11 : memref<1x1024xf32, #tpu.memory_space<vmem>>) target(%dma_start3A_50 : memref<1x1024xf32, #tpu.memory_space<hbm>>) target_semaphore(%arg16 : memref<!tpu.dma_semaphore, #tpu.memory_space<semaphore_mem>>)
    %dma_start3A_51 = arith.constant 0 : i32
    %dma_start3A_52 = arith.constant 0 : i32
    %dma_start3A_53 = tpu.memref_slice %arg5[%add3A, %dma_start3A_51, %dma_start3A_52] : memref<32x2x1024xf32, #tpu.memory_space<hbm>> -> memref<1x2x1024xf32, #tpu.memory_space<hbm>>
    %dma_start3A_54 = tpu.memref_squeeze %dma_start3A_53 : memref<1x2x1024xf32, #tpu.memory_space<hbm>> -> memref<2x1024xf32, #tpu.memory_space<hbm>>
    %dma_start3A_55 = arith.constant 0 : i32
    %dma_start3A_56 = arith.constant 0 : i32
    %dma_start3A_57 = tpu.memref_slice %arg5[%add3A, %dma_start3A_55, %dma_start3A_56] : memref<32x2x1024xf32, #tpu.memory_space<hbm>> -> memref<1x2x1024xf32, #tpu.memory_space<hbm>>
    %dma_start3A_58 = tpu.memref_squeeze %dma_start3A_57 : memref<1x2x1024xf32, #tpu.memory_space<hbm>> -> memref<2x1024xf32, #tpu.memory_space<hbm>>
    tpu.enqueue_dma source(%arg12 : memref<2x1024xf32, #tpu.memory_space<vmem>>) target(%dma_start3A_58 : memref<2x1024xf32, #tpu.memory_space<hbm>>) target_semaphore(%arg16 : memref<!tpu.dma_semaphore, #tpu.memory_space<semaphore_mem>>)
    %dma_start3A_59 = arith.constant 0 : i32
    %dma_start3A_60 = arith.constant 0 : i32
    %dma_start3A_61 = tpu.memref_slice %arg6[%add3A, %dma_start3A_59, %dma_start3A_60] : memref<32x2x1024xf32, #tpu.memory_space<hbm>> -> memref<1x2x1024xf32, #tpu.memory_space<hbm>>
    %dma_start3A_62 = tpu.memref_squeeze %dma_start3A_61 : memref<1x2x1024xf32, #tpu.memory_space<hbm>> -> memref<2x1024xf32, #tpu.memory_space<hbm>>
    %dma_start3A_63 = arith.constant 0 : i32
    %dma_start3A_64 = arith.constant 0 : i32
    %dma_start3A_65 = tpu.memref_slice %arg6[%add3A, %dma_start3A_63, %dma_start3A_64] : memref<32x2x1024xf32, #tpu.memory_space<hbm>> -> memref<1x2x1024xf32, #tpu.memory_space<hbm>>
    %dma_start3A_66 = tpu.memref_squeeze %dma_start3A_65 : memref<1x2x1024xf32, #tpu.memory_space<hbm>> -> memref<2x1024xf32, #tpu.memory_space<hbm>>
    tpu.enqueue_dma source(%arg13 : memref<2x1024xf32, #tpu.memory_space<vmem>>) target(%dma_start3A_66 : memref<2x1024xf32, #tpu.memory_space<hbm>>) target_semaphore(%arg16 : memref<!tpu.dma_semaphore, #tpu.memory_space<semaphore_mem>>)
    %dma_start3A_67 = arith.constant 0 : i32
    %dma_start3A_68 = arith.constant 0 : i32
    %dma_start3A_69 = tpu.memref_slice %arg7[%add3A, %dma_start3A_67, %dma_start3A_68] : memref<32x4x1024xf32, #tpu.memory_space<hbm>> -> memref<1x4x1024xf32, #tpu.memory_space<hbm>>
    %dma_start3A_70 = tpu.memref_squeeze %dma_start3A_69 : memref<1x4x1024xf32, #tpu.memory_space<hbm>> -> memref<4x1024xf32, #tpu.memory_space<hbm>>
    %dma_start3A_71 = arith.constant 0 : i32
    %dma_start3A_72 = arith.constant 0 : i32
    %dma_start3A_73 = tpu.memref_slice %arg7[%add3A, %dma_start3A_71, %dma_start3A_72] : memref<32x4x1024xf32, #tpu.memory_space<hbm>> -> memref<1x4x1024xf32, #tpu.memory_space<hbm>>
    %dma_start3A_74 = tpu.memref_squeeze %dma_start3A_73 : memref<1x4x1024xf32, #tpu.memory_space<hbm>> -> memref<4x1024xf32, #tpu.memory_space<hbm>>
    tpu.enqueue_dma source(%arg14 : memref<4x1024xf32, #tpu.memory_space<vmem>>) target(%dma_start3A_74 : memref<4x1024xf32, #tpu.memory_space<hbm>>) target_semaphore(%arg16 : memref<!tpu.dma_semaphore, #tpu.memory_space<semaphore_mem>>)
    %dma_start3A_75 = arith.constant 0 : i32
    %dma_start3A_76 = arith.constant 0 : i32
    %dma_start3A_77 = tpu.memref_slice %arg8[%add3A, %dma_start3A_75, %dma_start3A_76] : memref<32x4x1024xf32, #tpu.memory_space<hbm>> -> memref<1x4x1024xf32, #tpu.memory_space<hbm>>
    %dma_start3A_78 = tpu.memref_squeeze %dma_start3A_77 : memref<1x4x1024xf32, #tpu.memory_space<hbm>> -> memref<4x1024xf32, #tpu.memory_space<hbm>>
    %dma_start3A_79 = arith.constant 0 : i32
    %dma_start3A_80 = arith.constant 0 : i32
    %dma_start3A_81 = tpu.memref_slice %arg8[%add3A, %dma_start3A_79, %dma_start3A_80] : memref<32x4x1024xf32, #tpu.memory_space<hbm>> -> memref<1x4x1024xf32, #tpu.memory_space<hbm>>
    %dma_start3A_82 = tpu.memref_squeeze %dma_start3A_81 : memref<1x4x1024xf32, #tpu.memory_space<hbm>> -> memref<4x1024xf32, #tpu.memory_space<hbm>>
    tpu.enqueue_dma source(%arg15 : memref<4x1024xf32, #tpu.memory_space<vmem>>) target(%dma_start3A_82 : memref<4x1024xf32, #tpu.memory_space<hbm>>) target_semaphore(%arg16 : memref<!tpu.dma_semaphore, #tpu.memory_space<semaphore_mem>>)
    %dma_wait3A_83 = arith.constant 0 : i32
    %dma_wait3A_84 = arith.constant 0 : i32
    %dma_wait3A_85 = tpu.memref_slice %arg3[%add3A, %dma_wait3A_83, %dma_wait3A_84] : memref<32x1x1024xf32, #tpu.memory_space<hbm>> -> memref<1x1x1024xf32, #tpu.memory_space<hbm>>
    %dma_wait3A_86 = tpu.memref_squeeze %dma_wait3A_85 : memref<1x1x1024xf32, #tpu.memory_space<hbm>> -> memref<1x1024xf32, #tpu.memory_space<hbm>>
    %dma_wait3A_87 = arith.constant 0 : i32
    %dma_wait3A_88 = arith.constant 0 : i32
    %dma_wait3A_89 = tpu.memref_slice %arg3[%add3A, %dma_wait3A_87, %dma_wait3A_88] : memref<32x1x1024xf32, #tpu.memory_space<hbm>> -> memref<1x1x1024xf32, #tpu.memory_space<hbm>>
    %dma_wait3A_90 = tpu.memref_squeeze %dma_wait3A_89 : memref<1x1x1024xf32, #tpu.memory_space<hbm>> -> memref<1x1024xf32, #tpu.memory_space<hbm>>
    tpu.wait_dma2 semaphore(%arg16 : memref<!tpu.dma_semaphore, #tpu.memory_space<semaphore_mem>>) src(%arg10 : memref<1x1024xf32, #tpu.memory_space<vmem>>) dst(%dma_wait3A_90 : memref<1x1024xf32, #tpu.memory_space<hbm>>)
    %dma_wait3A_91 = arith.constant 0 : i32
    %dma_wait3A_92 = arith.constant 0 : i32
    %dma_wait3A_93 = tpu.memref_slice %arg4[%add3A, %dma_wait3A_91, %dma_wait3A_92] : memref<32x1x1024xf32, #tpu.memory_space<hbm>> -> memref<1x1x1024xf32, #tpu.memory_space<hbm>>
    %dma_wait3A_94 = tpu.memref_squeeze %dma_wait3A_93 : memref<1x1x1024xf32, #tpu.memory_space<hbm>> -> memref<1x1024xf32, #tpu.memory_space<hbm>>
    %dma_wait3A_95 = arith.constant 0 : i32
    %dma_wait3A_96 = arith.constant 0 : i32
    %dma_wait3A_97 = tpu.memref_slice %arg4[%add3A, %dma_wait3A_95, %dma_wait3A_96] : memref<32x1x1024xf32, #tpu.memory_space<hbm>> -> memref<1x1x1024xf32, #tpu.memory_space<hbm>>
    %dma_wait3A_98 = tpu.memref_squeeze %dma_wait3A_97 : memref<1x1x1024xf32, #tpu.memory_space<hbm>> -> memref<1x1024xf32, #tpu.memory_space<hbm>>
    tpu.wait_dma2 semaphore(%arg16 : memref<!tpu.dma_semaphore, #tpu.memory_space<semaphore_mem>>) src(%arg11 : memref<1x1024xf32, #tpu.memory_space<vmem>>) dst(%dma_wait3A_98 : memref<1x1024xf32, #tpu.memory_space<hbm>>)
    %dma_wait3A_99 = arith.constant 0 : i32
    %dma_wait3A_100 = arith.constant 0 : i32
    %dma_wait3A_101 = tpu.memref_slice %arg5[%add3A, %dma_wait3A_99, %dma_wait3A_100] : memref<32x2x1024xf32, #tpu.memory_space<hbm>> -> memref<1x2x1024xf32, #tpu.memory_space<hbm>>
    %dma_wait3A_102 = tpu.memref_squeeze %dma_wait3A_101 : memref<1x2x1024xf32, #tpu.memory_space<hbm>> -> memref<2x1024xf32, #tpu.memory_space<hbm>>
    %dma_wait3A_103 = arith.constant 0 : i32
    %dma_wait3A_104 = arith.constant 0 : i32
    %dma_wait3A_105 = tpu.memref_slice %arg5[%add3A, %dma_wait3A_103, %dma_wait3A_104] : memref<32x2x1024xf32, #tpu.memory_space<hbm>> -> memref<1x2x1024xf32, #tpu.memory_space<hbm>>
    %dma_wait3A_106 = tpu.memref_squeeze %dma_wait3A_105 : memref<1x2x1024xf32, #tpu.memory_space<hbm>> -> memref<2x1024xf32, #tpu.memory_space<hbm>>
    tpu.wait_dma2 semaphore(%arg16 : memref<!tpu.dma_semaphore, #tpu.memory_space<semaphore_mem>>) src(%arg12 : memref<2x1024xf32, #tpu.memory_space<vmem>>) dst(%dma_wait3A_106 : memref<2x1024xf32, #tpu.memory_space<hbm>>)
    %dma_wait3A_107 = arith.constant 0 : i32
    %dma_wait3A_108 = arith.constant 0 : i32
    %dma_wait3A_109 = tpu.memref_slice %arg6[%add3A, %dma_wait3A_107, %dma_wait3A_108] : memref<32x2x1024xf32, #tpu.memory_space<hbm>> -> memref<1x2x1024xf32, #tpu.memory_space<hbm>>
    %dma_wait3A_110 = tpu.memref_squeeze %dma_wait3A_109 : memref<1x2x1024xf32, #tpu.memory_space<hbm>> -> memref<2x1024xf32, #tpu.memory_space<hbm>>
    %dma_wait3A_111 = arith.constant 0 : i32
    %dma_wait3A_112 = arith.constant 0 : i32
    %dma_wait3A_113 = tpu.memref_slice %arg6[%add3A, %dma_wait3A_111, %dma_wait3A_112] : memref<32x2x1024xf32, #tpu.memory_space<hbm>> -> memref<1x2x1024xf32, #tpu.memory_space<hbm>>
    %dma_wait3A_114 = tpu.memref_squeeze %dma_wait3A_113 : memref<1x2x1024xf32, #tpu.memory_space<hbm>> -> memref<2x1024xf32, #tpu.memory_space<hbm>>
    tpu.wait_dma2 semaphore(%arg16 : memref<!tpu.dma_semaphore, #tpu.memory_space<semaphore_mem>>) src(%arg13 : memref<2x1024xf32, #tpu.memory_space<vmem>>) dst(%dma_wait3A_114 : memref<2x1024xf32, #tpu.memory_space<hbm>>)
    %dma_wait3A_115 = arith.constant 0 : i32
    %dma_wait3A_116 = arith.constant 0 : i32
    %dma_wait3A_117 = tpu.memref_slice %arg7[%add3A, %dma_wait3A_115, %dma_wait3A_116] : memref<32x4x1024xf32, #tpu.memory_space<hbm>> -> memref<1x4x1024xf32, #tpu.memory_space<hbm>>
    %dma_wait3A_118 = tpu.memref_squeeze %dma_wait3A_117 : memref<1x4x1024xf32, #tpu.memory_space<hbm>> -> memref<4x1024xf32, #tpu.memory_space<hbm>>
    %dma_wait3A_119 = arith.constant 0 : i32
    %dma_wait3A_120 = arith.constant 0 : i32
    %dma_wait3A_121 = tpu.memref_slice %arg7[%add3A, %dma_wait3A_119, %dma_wait3A_120] : memref<32x4x1024xf32, #tpu.memory_space<hbm>> -> memref<1x4x1024xf32, #tpu.memory_space<hbm>>
    %dma_wait3A_122 = tpu.memref_squeeze %dma_wait3A_121 : memref<1x4x1024xf32, #tpu.memory_space<hbm>> -> memref<4x1024xf32, #tpu.memory_space<hbm>>
    tpu.wait_dma2 semaphore(%arg16 : memref<!tpu.dma_semaphore, #tpu.memory_space<semaphore_mem>>) src(%arg14 : memref<4x1024xf32, #tpu.memory_space<vmem>>) dst(%dma_wait3A_122 : memref<4x1024xf32, #tpu.memory_space<hbm>>)
    %dma_wait3A_123 = arith.constant 0 : i32
    %dma_wait3A_124 = arith.constant 0 : i32
    %dma_wait3A_125 = tpu.memref_slice %arg8[%add3A, %dma_wait3A_123, %dma_wait3A_124] : memref<32x4x1024xf32, #tpu.memory_space<hbm>> -> memref<1x4x1024xf32, #tpu.memory_space<hbm>>
    %dma_wait3A_126 = tpu.memref_squeeze %dma_wait3A_125 : memref<1x4x1024xf32, #tpu.memory_space<hbm>> -> memref<4x1024xf32, #tpu.memory_space<hbm>>
    %dma_wait3A_127 = arith.constant 0 : i32
    %dma_wait3A_128 = arith.constant 0 : i32
    %dma_wait3A_129 = tpu.memref_slice %arg8[%add3A, %dma_wait3A_127, %dma_wait3A_128] : memref<32x4x1024xf32, #tpu.memory_space<hbm>> -> memref<1x4x1024xf32, #tpu.memory_space<hbm>>
    %dma_wait3A_130 = tpu.memref_squeeze %dma_wait3A_129 : memref<1x4x1024xf32, #tpu.memory_space<hbm>> -> memref<4x1024xf32, #tpu.memory_space<hbm>>
    tpu.wait_dma2 semaphore(%arg16 : memref<!tpu.dma_semaphore, #tpu.memory_space<semaphore_mem>>) src(%arg15 : memref<4x1024xf32, #tpu.memory_space<vmem>>) dst(%dma_wait3A_130 : memref<4x1024xf32, #tpu.memory_space<hbm>>)
    return
  }
}

module attributes {stable_mosaic.version = 14 : i64} {
  func.func @_tc_body(%arg0: i32, %arg1: memref<2048x1024xf32, #tpu.memory_space<vmem>>, %arg2: memref<64x1024xf32, #tpu.memory_space<vmem>>) attributes {dimension_semantics = [#tpu.dimension_semantics<arbitrary>], iteration_bounds = array<i64: 4>, scalar_prefetch = 0 : i64, scratch_operands = 0 : i64, tpu.core_type = #tpu.core_type<tc>, window_params = [{transform_indices = @transform_0, window_bounds = array<i64: 2048, 1024>}, {transform_indices = @transform_1, window_bounds = array<i64: 64, 1024>}]} {
    %get3A = arith.constant 0 : index
    %get3A_0 = arith.constant 0 : index
    %get3A_1 = vector.load %arg1[%get3A, %get3A_0] : memref<2048x1024xf32, #tpu.memory_space<vmem>>, vector<2048x1024xf32>
    %mul3A = arith.mulf %get3A_1, %get3A_1 : vector<2048x1024xf32>
    %mul3A_2 = arith.constant 32 : i32
    %mul3A_3 = arith.muli %arg0, %mul3A_2 : i32
    %add3A = arith.constant 0 : i32
    %add3A_4 = arith.addi %mul3A_3, %add3A : i32
    %slice3A = vector.extract_strided_slice %get3A_1 {offsets = [0, 0], sizes = [64, 1024], strides = [1, 1]} : vector<2048x1024xf32> to vector<64x1024xf32>
    %reduce_sum3A = arith.constant dense<0.000000e+00> : vector<1024xf32>
    %reduce_sum3A_5 = vector.multi_reduction <add>, %slice3A, %reduce_sum3A [0] : vector<64x1024xf32> to vector<1024xf32>
    %broadcast_in_dim3A = vector.shape_cast %reduce_sum3A_5 : vector<1024xf32> to vector<1x1024xf32>
    %slice3A_6 = vector.extract_strided_slice %mul3A {offsets = [0, 0], sizes = [64, 1024], strides = [1, 1]} : vector<2048x1024xf32> to vector<64x1024xf32>
    %reduce_sum3A_7 = arith.constant dense<0.000000e+00> : vector<1024xf32>
    %reduce_sum3A_8 = vector.multi_reduction <add>, %slice3A_6, %reduce_sum3A_7 [0] : vector<64x1024xf32> to vector<1024xf32>
    %broadcast_in_dim3A_9 = vector.shape_cast %reduce_sum3A_8 : vector<1024xf32> to vector<1x1024xf32>
    %jit3A = arith.constant 32 : i32
    %eq3A = arith.constant 0 : i32
    %eq3A_10 = arith.cmpi eq, %jit3A, %eq3A : i32
    %jit3A_11 = arith.constant 1 : i32
    %select_n3A = arith.select %eq3A_10, %jit3A_11, %jit3A : i32
    %rem3A = arith.remsi %add3A_4, %select_n3A : i32
    %ne3A = arith.constant 0 : i32
    %ne3A_12 = arith.cmpi ne, %rem3A, %ne3A : i32
    %lt3A = arith.constant 0 : i32
    %lt3A_13 = arith.cmpi slt, %rem3A, %lt3A : i32
    %lt3A_14 = arith.constant 0 : i32
    %lt3A_15 = arith.cmpi slt, %select_n3A, %lt3A_14 : i32
    %ne3A_16 = arith.xori %lt3A_13, %lt3A_15 : i1
    %and3A = arith.andi %ne3A_16, %ne3A_12 : i1
    %add3A_17 = arith.addi %rem3A, %select_n3A : i32
    %select_n3A_18 = arith.select %and3A, %add3A_17, %rem3A : i32
    %eq3A_19 = arith.constant 31 : i32
    %eq3A_20 = arith.cmpi eq, %select_n3A_18, %eq3A_19 : i32
    %jit3A_21 = arith.constant 0.00999999977 : f32
    %jit3A_22 = arith.constant 0.000000e+00 : f32
    %select_n3A_23 = arith.select %eq3A_20, %jit3A_21, %jit3A_22 : f32
    %slice3A_24 = vector.extract_strided_slice %get3A_1 {offsets = [63, 0], sizes = [1, 1024], strides = [1, 1]} : vector<2048x1024xf32> to vector<1x1024xf32>
    %mul3A_25 = vector.broadcast %select_n3A_23 : f32 to vector<1x1024xf32>
    %mul3A_26 = arith.mulf %mul3A_25, %slice3A_24 : vector<1x1024xf32>
    %sub3A = arith.subf %broadcast_in_dim3A, %mul3A_26 : vector<1x1024xf32>
    %mul3A_27 = arith.mulf %slice3A_24, %slice3A_24 : vector<1x1024xf32>
    %mul3A_28 = vector.broadcast %select_n3A_23 : f32 to vector<1x1024xf32>
    %mul3A_29 = arith.mulf %mul3A_28, %mul3A_27 : vector<1x1024xf32>
    %sub3A_30 = arith.subf %broadcast_in_dim3A_9, %mul3A_29 : vector<1x1024xf32>
    %mul3A_31 = arith.constant 32 : i32
    %mul3A_32 = arith.muli %arg0, %mul3A_31 : i32
    %add3A_33 = arith.constant 1 : i32
    %add3A_34 = arith.addi %mul3A_32, %add3A_33 : i32
    %slice3A_35 = vector.extract_strided_slice %get3A_1 {offsets = [64, 0], sizes = [64, 1024], strides = [1, 1]} : vector<2048x1024xf32> to vector<64x1024xf32>
    %reduce_sum3A_36 = arith.constant dense<0.000000e+00> : vector<1024xf32>
    %reduce_sum3A_37 = vector.multi_reduction <add>, %slice3A_35, %reduce_sum3A_36 [0] : vector<64x1024xf32> to vector<1024xf32>
    %broadcast_in_dim3A_38 = vector.shape_cast %reduce_sum3A_37 : vector<1024xf32> to vector<1x1024xf32>
    %slice3A_39 = vector.extract_strided_slice %mul3A {offsets = [64, 0], sizes = [64, 1024], strides = [1, 1]} : vector<2048x1024xf32> to vector<64x1024xf32>
    %reduce_sum3A_40 = arith.constant dense<0.000000e+00> : vector<1024xf32>
    %reduce_sum3A_41 = vector.multi_reduction <add>, %slice3A_39, %reduce_sum3A_40 [0] : vector<64x1024xf32> to vector<1024xf32>
    %broadcast_in_dim3A_42 = vector.shape_cast %reduce_sum3A_41 : vector<1024xf32> to vector<1x1024xf32>
    %jit3A_43 = arith.constant 32 : i32
    %eq3A_44 = arith.constant 0 : i32
    %eq3A_45 = arith.cmpi eq, %jit3A_43, %eq3A_44 : i32
    %jit3A_46 = arith.constant 1 : i32
    %select_n3A_47 = arith.select %eq3A_45, %jit3A_46, %jit3A_43 : i32
    %rem3A_48 = arith.remsi %add3A_34, %select_n3A_47 : i32
    %ne3A_49 = arith.constant 0 : i32
    %ne3A_50 = arith.cmpi ne, %rem3A_48, %ne3A_49 : i32
    %lt3A_51 = arith.constant 0 : i32
    %lt3A_52 = arith.cmpi slt, %rem3A_48, %lt3A_51 : i32
    %lt3A_53 = arith.constant 0 : i32
    %lt3A_54 = arith.cmpi slt, %select_n3A_47, %lt3A_53 : i32
    %ne3A_55 = arith.xori %lt3A_52, %lt3A_54 : i1
    %and3A_56 = arith.andi %ne3A_55, %ne3A_50 : i1
    %add3A_57 = arith.addi %rem3A_48, %select_n3A_47 : i32
    %select_n3A_58 = arith.select %and3A_56, %add3A_57, %rem3A_48 : i32
    %eq3A_59 = arith.constant 31 : i32
    %eq3A_60 = arith.cmpi eq, %select_n3A_58, %eq3A_59 : i32
    %jit3A_61 = arith.constant 0.00999999977 : f32
    %jit3A_62 = arith.constant 0.000000e+00 : f32
    %select_n3A_63 = arith.select %eq3A_60, %jit3A_61, %jit3A_62 : f32
    %slice3A_64 = vector.extract_strided_slice %get3A_1 {offsets = [127, 0], sizes = [1, 1024], strides = [1, 1]} : vector<2048x1024xf32> to vector<1x1024xf32>
    %mul3A_65 = vector.broadcast %select_n3A_63 : f32 to vector<1x1024xf32>
    %mul3A_66 = arith.mulf %mul3A_65, %slice3A_64 : vector<1x1024xf32>
    %sub3A_67 = arith.subf %broadcast_in_dim3A_38, %mul3A_66 : vector<1x1024xf32>
    %mul3A_68 = arith.mulf %slice3A_64, %slice3A_64 : vector<1x1024xf32>
    %mul3A_69 = vector.broadcast %select_n3A_63 : f32 to vector<1x1024xf32>
    %mul3A_70 = arith.mulf %mul3A_69, %mul3A_68 : vector<1x1024xf32>
    %sub3A_71 = arith.subf %broadcast_in_dim3A_42, %mul3A_70 : vector<1x1024xf32>
    %mul3A_72 = arith.constant 32 : i32
    %mul3A_73 = arith.muli %arg0, %mul3A_72 : i32
    %add3A_74 = arith.constant 2 : i32
    %add3A_75 = arith.addi %mul3A_73, %add3A_74 : i32
    %slice3A_76 = vector.extract_strided_slice %get3A_1 {offsets = [128, 0], sizes = [64, 1024], strides = [1, 1]} : vector<2048x1024xf32> to vector<64x1024xf32>
    %reduce_sum3A_77 = arith.constant dense<0.000000e+00> : vector<1024xf32>
    %reduce_sum3A_78 = vector.multi_reduction <add>, %slice3A_76, %reduce_sum3A_77 [0] : vector<64x1024xf32> to vector<1024xf32>
    %broadcast_in_dim3A_79 = vector.shape_cast %reduce_sum3A_78 : vector<1024xf32> to vector<1x1024xf32>
    %slice3A_80 = vector.extract_strided_slice %mul3A {offsets = [128, 0], sizes = [64, 1024], strides = [1, 1]} : vector<2048x1024xf32> to vector<64x1024xf32>
    %reduce_sum3A_81 = arith.constant dense<0.000000e+00> : vector<1024xf32>
    %reduce_sum3A_82 = vector.multi_reduction <add>, %slice3A_80, %reduce_sum3A_81 [0] : vector<64x1024xf32> to vector<1024xf32>
    %broadcast_in_dim3A_83 = vector.shape_cast %reduce_sum3A_82 : vector<1024xf32> to vector<1x1024xf32>
    %jit3A_84 = arith.constant 32 : i32
    %eq3A_85 = arith.constant 0 : i32
    %eq3A_86 = arith.cmpi eq, %jit3A_84, %eq3A_85 : i32
    %jit3A_87 = arith.constant 1 : i32
    %select_n3A_88 = arith.select %eq3A_86, %jit3A_87, %jit3A_84 : i32
    %rem3A_89 = arith.remsi %add3A_75, %select_n3A_88 : i32
    %ne3A_90 = arith.constant 0 : i32
    %ne3A_91 = arith.cmpi ne, %rem3A_89, %ne3A_90 : i32
    %lt3A_92 = arith.constant 0 : i32
    %lt3A_93 = arith.cmpi slt, %rem3A_89, %lt3A_92 : i32
    %lt3A_94 = arith.constant 0 : i32
    %lt3A_95 = arith.cmpi slt, %select_n3A_88, %lt3A_94 : i32
    %ne3A_96 = arith.xori %lt3A_93, %lt3A_95 : i1
    %and3A_97 = arith.andi %ne3A_96, %ne3A_91 : i1
    %add3A_98 = arith.addi %rem3A_89, %select_n3A_88 : i32
    %select_n3A_99 = arith.select %and3A_97, %add3A_98, %rem3A_89 : i32
    %eq3A_100 = arith.constant 31 : i32
    %eq3A_101 = arith.cmpi eq, %select_n3A_99, %eq3A_100 : i32
    %jit3A_102 = arith.constant 0.00999999977 : f32
    %jit3A_103 = arith.constant 0.000000e+00 : f32
    %select_n3A_104 = arith.select %eq3A_101, %jit3A_102, %jit3A_103 : f32
    %slice3A_105 = vector.extract_strided_slice %get3A_1 {offsets = [191, 0], sizes = [1, 1024], strides = [1, 1]} : vector<2048x1024xf32> to vector<1x1024xf32>
    %mul3A_106 = vector.broadcast %select_n3A_104 : f32 to vector<1x1024xf32>
    %mul3A_107 = arith.mulf %mul3A_106, %slice3A_105 : vector<1x1024xf32>
    %sub3A_108 = arith.subf %broadcast_in_dim3A_79, %mul3A_107 : vector<1x1024xf32>
    %mul3A_109 = arith.mulf %slice3A_105, %slice3A_105 : vector<1x1024xf32>
    %mul3A_110 = vector.broadcast %select_n3A_104 : f32 to vector<1x1024xf32>
    %mul3A_111 = arith.mulf %mul3A_110, %mul3A_109 : vector<1x1024xf32>
    %sub3A_112 = arith.subf %broadcast_in_dim3A_83, %mul3A_111 : vector<1x1024xf32>
    %mul3A_113 = arith.constant 32 : i32
    %mul3A_114 = arith.muli %arg0, %mul3A_113 : i32
    %add3A_115 = arith.constant 3 : i32
    %add3A_116 = arith.addi %mul3A_114, %add3A_115 : i32
    %slice3A_117 = vector.extract_strided_slice %get3A_1 {offsets = [192, 0], sizes = [64, 1024], strides = [1, 1]} : vector<2048x1024xf32> to vector<64x1024xf32>
    %reduce_sum3A_118 = arith.constant dense<0.000000e+00> : vector<1024xf32>
    %reduce_sum3A_119 = vector.multi_reduction <add>, %slice3A_117, %reduce_sum3A_118 [0] : vector<64x1024xf32> to vector<1024xf32>
    %broadcast_in_dim3A_120 = vector.shape_cast %reduce_sum3A_119 : vector<1024xf32> to vector<1x1024xf32>
    %slice3A_121 = vector.extract_strided_slice %mul3A {offsets = [192, 0], sizes = [64, 1024], strides = [1, 1]} : vector<2048x1024xf32> to vector<64x1024xf32>
    %reduce_sum3A_122 = arith.constant dense<0.000000e+00> : vector<1024xf32>
    %reduce_sum3A_123 = vector.multi_reduction <add>, %slice3A_121, %reduce_sum3A_122 [0] : vector<64x1024xf32> to vector<1024xf32>
    %broadcast_in_dim3A_124 = vector.shape_cast %reduce_sum3A_123 : vector<1024xf32> to vector<1x1024xf32>
    %jit3A_125 = arith.constant 32 : i32
    %eq3A_126 = arith.constant 0 : i32
    %eq3A_127 = arith.cmpi eq, %jit3A_125, %eq3A_126 : i32
    %jit3A_128 = arith.constant 1 : i32
    %select_n3A_129 = arith.select %eq3A_127, %jit3A_128, %jit3A_125 : i32
    %rem3A_130 = arith.remsi %add3A_116, %select_n3A_129 : i32
    %ne3A_131 = arith.constant 0 : i32
    %ne3A_132 = arith.cmpi ne, %rem3A_130, %ne3A_131 : i32
    %lt3A_133 = arith.constant 0 : i32
    %lt3A_134 = arith.cmpi slt, %rem3A_130, %lt3A_133 : i32
    %lt3A_135 = arith.constant 0 : i32
    %lt3A_136 = arith.cmpi slt, %select_n3A_129, %lt3A_135 : i32
    %ne3A_137 = arith.xori %lt3A_134, %lt3A_136 : i1
    %and3A_138 = arith.andi %ne3A_137, %ne3A_132 : i1
    %add3A_139 = arith.addi %rem3A_130, %select_n3A_129 : i32
    %select_n3A_140 = arith.select %and3A_138, %add3A_139, %rem3A_130 : i32
    %eq3A_141 = arith.constant 31 : i32
    %eq3A_142 = arith.cmpi eq, %select_n3A_140, %eq3A_141 : i32
    %jit3A_143 = arith.constant 0.00999999977 : f32
    %jit3A_144 = arith.constant 0.000000e+00 : f32
    %select_n3A_145 = arith.select %eq3A_142, %jit3A_143, %jit3A_144 : f32
    %slice3A_146 = vector.extract_strided_slice %get3A_1 {offsets = [255, 0], sizes = [1, 1024], strides = [1, 1]} : vector<2048x1024xf32> to vector<1x1024xf32>
    %mul3A_147 = vector.broadcast %select_n3A_145 : f32 to vector<1x1024xf32>
    %mul3A_148 = arith.mulf %mul3A_147, %slice3A_146 : vector<1x1024xf32>
    %sub3A_149 = arith.subf %broadcast_in_dim3A_120, %mul3A_148 : vector<1x1024xf32>
    %mul3A_150 = arith.mulf %slice3A_146, %slice3A_146 : vector<1x1024xf32>
    %mul3A_151 = vector.broadcast %select_n3A_145 : f32 to vector<1x1024xf32>
    %mul3A_152 = arith.mulf %mul3A_151, %mul3A_150 : vector<1x1024xf32>
    %sub3A_153 = arith.subf %broadcast_in_dim3A_124, %mul3A_152 : vector<1x1024xf32>
    %mul3A_154 = arith.constant 32 : i32
    %mul3A_155 = arith.muli %arg0, %mul3A_154 : i32
    %add3A_156 = arith.constant 4 : i32
    %add3A_157 = arith.addi %mul3A_155, %add3A_156 : i32
    %slice3A_158 = vector.extract_strided_slice %get3A_1 {offsets = [256, 0], sizes = [64, 1024], strides = [1, 1]} : vector<2048x1024xf32> to vector<64x1024xf32>
    %reduce_sum3A_159 = arith.constant dense<0.000000e+00> : vector<1024xf32>
    %reduce_sum3A_160 = vector.multi_reduction <add>, %slice3A_158, %reduce_sum3A_159 [0] : vector<64x1024xf32> to vector<1024xf32>
    %broadcast_in_dim3A_161 = vector.shape_cast %reduce_sum3A_160 : vector<1024xf32> to vector<1x1024xf32>
    %slice3A_162 = vector.extract_strided_slice %mul3A {offsets = [256, 0], sizes = [64, 1024], strides = [1, 1]} : vector<2048x1024xf32> to vector<64x1024xf32>
    %reduce_sum3A_163 = arith.constant dense<0.000000e+00> : vector<1024xf32>
    %reduce_sum3A_164 = vector.multi_reduction <add>, %slice3A_162, %reduce_sum3A_163 [0] : vector<64x1024xf32> to vector<1024xf32>
    %broadcast_in_dim3A_165 = vector.shape_cast %reduce_sum3A_164 : vector<1024xf32> to vector<1x1024xf32>
    %jit3A_166 = arith.constant 32 : i32
    %eq3A_167 = arith.constant 0 : i32
    %eq3A_168 = arith.cmpi eq, %jit3A_166, %eq3A_167 : i32
    %jit3A_169 = arith.constant 1 : i32
    %select_n3A_170 = arith.select %eq3A_168, %jit3A_169, %jit3A_166 : i32
    %rem3A_171 = arith.remsi %add3A_157, %select_n3A_170 : i32
    %ne3A_172 = arith.constant 0 : i32
    %ne3A_173 = arith.cmpi ne, %rem3A_171, %ne3A_172 : i32
    %lt3A_174 = arith.constant 0 : i32
    %lt3A_175 = arith.cmpi slt, %rem3A_171, %lt3A_174 : i32
    %lt3A_176 = arith.constant 0 : i32
    %lt3A_177 = arith.cmpi slt, %select_n3A_170, %lt3A_176 : i32
    %ne3A_178 = arith.xori %lt3A_175, %lt3A_177 : i1
    %and3A_179 = arith.andi %ne3A_178, %ne3A_173 : i1
    %add3A_180 = arith.addi %rem3A_171, %select_n3A_170 : i32
    %select_n3A_181 = arith.select %and3A_179, %add3A_180, %rem3A_171 : i32
    %eq3A_182 = arith.constant 31 : i32
    %eq3A_183 = arith.cmpi eq, %select_n3A_181, %eq3A_182 : i32
    %jit3A_184 = arith.constant 0.00999999977 : f32
    %jit3A_185 = arith.constant 0.000000e+00 : f32
    %select_n3A_186 = arith.select %eq3A_183, %jit3A_184, %jit3A_185 : f32
    %slice3A_187 = vector.extract_strided_slice %get3A_1 {offsets = [319, 0], sizes = [1, 1024], strides = [1, 1]} : vector<2048x1024xf32> to vector<1x1024xf32>
    %mul3A_188 = vector.broadcast %select_n3A_186 : f32 to vector<1x1024xf32>
    %mul3A_189 = arith.mulf %mul3A_188, %slice3A_187 : vector<1x1024xf32>
    %sub3A_190 = arith.subf %broadcast_in_dim3A_161, %mul3A_189 : vector<1x1024xf32>
    %mul3A_191 = arith.mulf %slice3A_187, %slice3A_187 : vector<1x1024xf32>
    %mul3A_192 = vector.broadcast %select_n3A_186 : f32 to vector<1x1024xf32>
    %mul3A_193 = arith.mulf %mul3A_192, %mul3A_191 : vector<1x1024xf32>
    %sub3A_194 = arith.subf %broadcast_in_dim3A_165, %mul3A_193 : vector<1x1024xf32>
    %mul3A_195 = arith.constant 32 : i32
    %mul3A_196 = arith.muli %arg0, %mul3A_195 : i32
    %add3A_197 = arith.constant 5 : i32
    %add3A_198 = arith.addi %mul3A_196, %add3A_197 : i32
    %slice3A_199 = vector.extract_strided_slice %get3A_1 {offsets = [320, 0], sizes = [64, 1024], strides = [1, 1]} : vector<2048x1024xf32> to vector<64x1024xf32>
    %reduce_sum3A_200 = arith.constant dense<0.000000e+00> : vector<1024xf32>
    %reduce_sum3A_201 = vector.multi_reduction <add>, %slice3A_199, %reduce_sum3A_200 [0] : vector<64x1024xf32> to vector<1024xf32>
    %broadcast_in_dim3A_202 = vector.shape_cast %reduce_sum3A_201 : vector<1024xf32> to vector<1x1024xf32>
    %slice3A_203 = vector.extract_strided_slice %mul3A {offsets = [320, 0], sizes = [64, 1024], strides = [1, 1]} : vector<2048x1024xf32> to vector<64x1024xf32>
    %reduce_sum3A_204 = arith.constant dense<0.000000e+00> : vector<1024xf32>
    %reduce_sum3A_205 = vector.multi_reduction <add>, %slice3A_203, %reduce_sum3A_204 [0] : vector<64x1024xf32> to vector<1024xf32>
    %broadcast_in_dim3A_206 = vector.shape_cast %reduce_sum3A_205 : vector<1024xf32> to vector<1x1024xf32>
    %jit3A_207 = arith.constant 32 : i32
    %eq3A_208 = arith.constant 0 : i32
    %eq3A_209 = arith.cmpi eq, %jit3A_207, %eq3A_208 : i32
    %jit3A_210 = arith.constant 1 : i32
    %select_n3A_211 = arith.select %eq3A_209, %jit3A_210, %jit3A_207 : i32
    %rem3A_212 = arith.remsi %add3A_198, %select_n3A_211 : i32
    %ne3A_213 = arith.constant 0 : i32
    %ne3A_214 = arith.cmpi ne, %rem3A_212, %ne3A_213 : i32
    %lt3A_215 = arith.constant 0 : i32
    %lt3A_216 = arith.cmpi slt, %rem3A_212, %lt3A_215 : i32
    %lt3A_217 = arith.constant 0 : i32
    %lt3A_218 = arith.cmpi slt, %select_n3A_211, %lt3A_217 : i32
    %ne3A_219 = arith.xori %lt3A_216, %lt3A_218 : i1
    %and3A_220 = arith.andi %ne3A_219, %ne3A_214 : i1
    %add3A_221 = arith.addi %rem3A_212, %select_n3A_211 : i32
    %select_n3A_222 = arith.select %and3A_220, %add3A_221, %rem3A_212 : i32
    %eq3A_223 = arith.constant 31 : i32
    %eq3A_224 = arith.cmpi eq, %select_n3A_222, %eq3A_223 : i32
    %jit3A_225 = arith.constant 0.00999999977 : f32
    %jit3A_226 = arith.constant 0.000000e+00 : f32
    %select_n3A_227 = arith.select %eq3A_224, %jit3A_225, %jit3A_226 : f32
    %slice3A_228 = vector.extract_strided_slice %get3A_1 {offsets = [383, 0], sizes = [1, 1024], strides = [1, 1]} : vector<2048x1024xf32> to vector<1x1024xf32>
    %mul3A_229 = vector.broadcast %select_n3A_227 : f32 to vector<1x1024xf32>
    %mul3A_230 = arith.mulf %mul3A_229, %slice3A_228 : vector<1x1024xf32>
    %sub3A_231 = arith.subf %broadcast_in_dim3A_202, %mul3A_230 : vector<1x1024xf32>
    %mul3A_232 = arith.mulf %slice3A_228, %slice3A_228 : vector<1x1024xf32>
    %mul3A_233 = vector.broadcast %select_n3A_227 : f32 to vector<1x1024xf32>
    %mul3A_234 = arith.mulf %mul3A_233, %mul3A_232 : vector<1x1024xf32>
    %sub3A_235 = arith.subf %broadcast_in_dim3A_206, %mul3A_234 : vector<1x1024xf32>
    %mul3A_236 = arith.constant 32 : i32
    %mul3A_237 = arith.muli %arg0, %mul3A_236 : i32
    %add3A_238 = arith.constant 6 : i32
    %add3A_239 = arith.addi %mul3A_237, %add3A_238 : i32
    %slice3A_240 = vector.extract_strided_slice %get3A_1 {offsets = [384, 0], sizes = [64, 1024], strides = [1, 1]} : vector<2048x1024xf32> to vector<64x1024xf32>
    %reduce_sum3A_241 = arith.constant dense<0.000000e+00> : vector<1024xf32>
    %reduce_sum3A_242 = vector.multi_reduction <add>, %slice3A_240, %reduce_sum3A_241 [0] : vector<64x1024xf32> to vector<1024xf32>
    %broadcast_in_dim3A_243 = vector.shape_cast %reduce_sum3A_242 : vector<1024xf32> to vector<1x1024xf32>
    %slice3A_244 = vector.extract_strided_slice %mul3A {offsets = [384, 0], sizes = [64, 1024], strides = [1, 1]} : vector<2048x1024xf32> to vector<64x1024xf32>
    %reduce_sum3A_245 = arith.constant dense<0.000000e+00> : vector<1024xf32>
    %reduce_sum3A_246 = vector.multi_reduction <add>, %slice3A_244, %reduce_sum3A_245 [0] : vector<64x1024xf32> to vector<1024xf32>
    %broadcast_in_dim3A_247 = vector.shape_cast %reduce_sum3A_246 : vector<1024xf32> to vector<1x1024xf32>
    %jit3A_248 = arith.constant 32 : i32
    %eq3A_249 = arith.constant 0 : i32
    %eq3A_250 = arith.cmpi eq, %jit3A_248, %eq3A_249 : i32
    %jit3A_251 = arith.constant 1 : i32
    %select_n3A_252 = arith.select %eq3A_250, %jit3A_251, %jit3A_248 : i32
    %rem3A_253 = arith.remsi %add3A_239, %select_n3A_252 : i32
    %ne3A_254 = arith.constant 0 : i32
    %ne3A_255 = arith.cmpi ne, %rem3A_253, %ne3A_254 : i32
    %lt3A_256 = arith.constant 0 : i32
    %lt3A_257 = arith.cmpi slt, %rem3A_253, %lt3A_256 : i32
    %lt3A_258 = arith.constant 0 : i32
    %lt3A_259 = arith.cmpi slt, %select_n3A_252, %lt3A_258 : i32
    %ne3A_260 = arith.xori %lt3A_257, %lt3A_259 : i1
    %and3A_261 = arith.andi %ne3A_260, %ne3A_255 : i1
    %add3A_262 = arith.addi %rem3A_253, %select_n3A_252 : i32
    %select_n3A_263 = arith.select %and3A_261, %add3A_262, %rem3A_253 : i32
    %eq3A_264 = arith.constant 31 : i32
    %eq3A_265 = arith.cmpi eq, %select_n3A_263, %eq3A_264 : i32
    %jit3A_266 = arith.constant 0.00999999977 : f32
    %jit3A_267 = arith.constant 0.000000e+00 : f32
    %select_n3A_268 = arith.select %eq3A_265, %jit3A_266, %jit3A_267 : f32
    %slice3A_269 = vector.extract_strided_slice %get3A_1 {offsets = [447, 0], sizes = [1, 1024], strides = [1, 1]} : vector<2048x1024xf32> to vector<1x1024xf32>
    %mul3A_270 = vector.broadcast %select_n3A_268 : f32 to vector<1x1024xf32>
    %mul3A_271 = arith.mulf %mul3A_270, %slice3A_269 : vector<1x1024xf32>
    %sub3A_272 = arith.subf %broadcast_in_dim3A_243, %mul3A_271 : vector<1x1024xf32>
    %mul3A_273 = arith.mulf %slice3A_269, %slice3A_269 : vector<1x1024xf32>
    %mul3A_274 = vector.broadcast %select_n3A_268 : f32 to vector<1x1024xf32>
    %mul3A_275 = arith.mulf %mul3A_274, %mul3A_273 : vector<1x1024xf32>
    %sub3A_276 = arith.subf %broadcast_in_dim3A_247, %mul3A_275 : vector<1x1024xf32>
    %mul3A_277 = arith.constant 32 : i32
    %mul3A_278 = arith.muli %arg0, %mul3A_277 : i32
    %add3A_279 = arith.constant 7 : i32
    %add3A_280 = arith.addi %mul3A_278, %add3A_279 : i32
    %slice3A_281 = vector.extract_strided_slice %get3A_1 {offsets = [448, 0], sizes = [64, 1024], strides = [1, 1]} : vector<2048x1024xf32> to vector<64x1024xf32>
    %reduce_sum3A_282 = arith.constant dense<0.000000e+00> : vector<1024xf32>
    %reduce_sum3A_283 = vector.multi_reduction <add>, %slice3A_281, %reduce_sum3A_282 [0] : vector<64x1024xf32> to vector<1024xf32>
    %broadcast_in_dim3A_284 = vector.shape_cast %reduce_sum3A_283 : vector<1024xf32> to vector<1x1024xf32>
    %slice3A_285 = vector.extract_strided_slice %mul3A {offsets = [448, 0], sizes = [64, 1024], strides = [1, 1]} : vector<2048x1024xf32> to vector<64x1024xf32>
    %reduce_sum3A_286 = arith.constant dense<0.000000e+00> : vector<1024xf32>
    %reduce_sum3A_287 = vector.multi_reduction <add>, %slice3A_285, %reduce_sum3A_286 [0] : vector<64x1024xf32> to vector<1024xf32>
    %broadcast_in_dim3A_288 = vector.shape_cast %reduce_sum3A_287 : vector<1024xf32> to vector<1x1024xf32>
    %jit3A_289 = arith.constant 32 : i32
    %eq3A_290 = arith.constant 0 : i32
    %eq3A_291 = arith.cmpi eq, %jit3A_289, %eq3A_290 : i32
    %jit3A_292 = arith.constant 1 : i32
    %select_n3A_293 = arith.select %eq3A_291, %jit3A_292, %jit3A_289 : i32
    %rem3A_294 = arith.remsi %add3A_280, %select_n3A_293 : i32
    %ne3A_295 = arith.constant 0 : i32
    %ne3A_296 = arith.cmpi ne, %rem3A_294, %ne3A_295 : i32
    %lt3A_297 = arith.constant 0 : i32
    %lt3A_298 = arith.cmpi slt, %rem3A_294, %lt3A_297 : i32
    %lt3A_299 = arith.constant 0 : i32
    %lt3A_300 = arith.cmpi slt, %select_n3A_293, %lt3A_299 : i32
    %ne3A_301 = arith.xori %lt3A_298, %lt3A_300 : i1
    %and3A_302 = arith.andi %ne3A_301, %ne3A_296 : i1
    %add3A_303 = arith.addi %rem3A_294, %select_n3A_293 : i32
    %select_n3A_304 = arith.select %and3A_302, %add3A_303, %rem3A_294 : i32
    %eq3A_305 = arith.constant 31 : i32
    %eq3A_306 = arith.cmpi eq, %select_n3A_304, %eq3A_305 : i32
    %jit3A_307 = arith.constant 0.00999999977 : f32
    %jit3A_308 = arith.constant 0.000000e+00 : f32
    %select_n3A_309 = arith.select %eq3A_306, %jit3A_307, %jit3A_308 : f32
    %slice3A_310 = vector.extract_strided_slice %get3A_1 {offsets = [511, 0], sizes = [1, 1024], strides = [1, 1]} : vector<2048x1024xf32> to vector<1x1024xf32>
    %mul3A_311 = vector.broadcast %select_n3A_309 : f32 to vector<1x1024xf32>
    %mul3A_312 = arith.mulf %mul3A_311, %slice3A_310 : vector<1x1024xf32>
    %sub3A_313 = arith.subf %broadcast_in_dim3A_284, %mul3A_312 : vector<1x1024xf32>
    %mul3A_314 = arith.mulf %slice3A_310, %slice3A_310 : vector<1x1024xf32>
    %mul3A_315 = vector.broadcast %select_n3A_309 : f32 to vector<1x1024xf32>
    %mul3A_316 = arith.mulf %mul3A_315, %mul3A_314 : vector<1x1024xf32>
    %sub3A_317 = arith.subf %broadcast_in_dim3A_288, %mul3A_316 : vector<1x1024xf32>
    %mul3A_318 = arith.constant 32 : i32
    %mul3A_319 = arith.muli %arg0, %mul3A_318 : i32
    %add3A_320 = arith.constant 8 : i32
    %add3A_321 = arith.addi %mul3A_319, %add3A_320 : i32
    %slice3A_322 = vector.extract_strided_slice %get3A_1 {offsets = [512, 0], sizes = [64, 1024], strides = [1, 1]} : vector<2048x1024xf32> to vector<64x1024xf32>
    %reduce_sum3A_323 = arith.constant dense<0.000000e+00> : vector<1024xf32>
    %reduce_sum3A_324 = vector.multi_reduction <add>, %slice3A_322, %reduce_sum3A_323 [0] : vector<64x1024xf32> to vector<1024xf32>
    %broadcast_in_dim3A_325 = vector.shape_cast %reduce_sum3A_324 : vector<1024xf32> to vector<1x1024xf32>
    %slice3A_326 = vector.extract_strided_slice %mul3A {offsets = [512, 0], sizes = [64, 1024], strides = [1, 1]} : vector<2048x1024xf32> to vector<64x1024xf32>
    %reduce_sum3A_327 = arith.constant dense<0.000000e+00> : vector<1024xf32>
    %reduce_sum3A_328 = vector.multi_reduction <add>, %slice3A_326, %reduce_sum3A_327 [0] : vector<64x1024xf32> to vector<1024xf32>
    %broadcast_in_dim3A_329 = vector.shape_cast %reduce_sum3A_328 : vector<1024xf32> to vector<1x1024xf32>
    %jit3A_330 = arith.constant 32 : i32
    %eq3A_331 = arith.constant 0 : i32
    %eq3A_332 = arith.cmpi eq, %jit3A_330, %eq3A_331 : i32
    %jit3A_333 = arith.constant 1 : i32
    %select_n3A_334 = arith.select %eq3A_332, %jit3A_333, %jit3A_330 : i32
    %rem3A_335 = arith.remsi %add3A_321, %select_n3A_334 : i32
    %ne3A_336 = arith.constant 0 : i32
    %ne3A_337 = arith.cmpi ne, %rem3A_335, %ne3A_336 : i32
    %lt3A_338 = arith.constant 0 : i32
    %lt3A_339 = arith.cmpi slt, %rem3A_335, %lt3A_338 : i32
    %lt3A_340 = arith.constant 0 : i32
    %lt3A_341 = arith.cmpi slt, %select_n3A_334, %lt3A_340 : i32
    %ne3A_342 = arith.xori %lt3A_339, %lt3A_341 : i1
    %and3A_343 = arith.andi %ne3A_342, %ne3A_337 : i1
    %add3A_344 = arith.addi %rem3A_335, %select_n3A_334 : i32
    %select_n3A_345 = arith.select %and3A_343, %add3A_344, %rem3A_335 : i32
    %eq3A_346 = arith.constant 31 : i32
    %eq3A_347 = arith.cmpi eq, %select_n3A_345, %eq3A_346 : i32
    %jit3A_348 = arith.constant 0.00999999977 : f32
    %jit3A_349 = arith.constant 0.000000e+00 : f32
    %select_n3A_350 = arith.select %eq3A_347, %jit3A_348, %jit3A_349 : f32
    %slice3A_351 = vector.extract_strided_slice %get3A_1 {offsets = [575, 0], sizes = [1, 1024], strides = [1, 1]} : vector<2048x1024xf32> to vector<1x1024xf32>
    %mul3A_352 = vector.broadcast %select_n3A_350 : f32 to vector<1x1024xf32>
    %mul3A_353 = arith.mulf %mul3A_352, %slice3A_351 : vector<1x1024xf32>
    %sub3A_354 = arith.subf %broadcast_in_dim3A_325, %mul3A_353 : vector<1x1024xf32>
    %mul3A_355 = arith.mulf %slice3A_351, %slice3A_351 : vector<1x1024xf32>
    %mul3A_356 = vector.broadcast %select_n3A_350 : f32 to vector<1x1024xf32>
    %mul3A_357 = arith.mulf %mul3A_356, %mul3A_355 : vector<1x1024xf32>
    %sub3A_358 = arith.subf %broadcast_in_dim3A_329, %mul3A_357 : vector<1x1024xf32>
    %mul3A_359 = arith.constant 32 : i32
    %mul3A_360 = arith.muli %arg0, %mul3A_359 : i32
    %add3A_361 = arith.constant 9 : i32
    %add3A_362 = arith.addi %mul3A_360, %add3A_361 : i32
    %slice3A_363 = vector.extract_strided_slice %get3A_1 {offsets = [576, 0], sizes = [64, 1024], strides = [1, 1]} : vector<2048x1024xf32> to vector<64x1024xf32>
    %reduce_sum3A_364 = arith.constant dense<0.000000e+00> : vector<1024xf32>
    %reduce_sum3A_365 = vector.multi_reduction <add>, %slice3A_363, %reduce_sum3A_364 [0] : vector<64x1024xf32> to vector<1024xf32>
    %broadcast_in_dim3A_366 = vector.shape_cast %reduce_sum3A_365 : vector<1024xf32> to vector<1x1024xf32>
    %slice3A_367 = vector.extract_strided_slice %mul3A {offsets = [576, 0], sizes = [64, 1024], strides = [1, 1]} : vector<2048x1024xf32> to vector<64x1024xf32>
    %reduce_sum3A_368 = arith.constant dense<0.000000e+00> : vector<1024xf32>
    %reduce_sum3A_369 = vector.multi_reduction <add>, %slice3A_367, %reduce_sum3A_368 [0] : vector<64x1024xf32> to vector<1024xf32>
    %broadcast_in_dim3A_370 = vector.shape_cast %reduce_sum3A_369 : vector<1024xf32> to vector<1x1024xf32>
    %jit3A_371 = arith.constant 32 : i32
    %eq3A_372 = arith.constant 0 : i32
    %eq3A_373 = arith.cmpi eq, %jit3A_371, %eq3A_372 : i32
    %jit3A_374 = arith.constant 1 : i32
    %select_n3A_375 = arith.select %eq3A_373, %jit3A_374, %jit3A_371 : i32
    %rem3A_376 = arith.remsi %add3A_362, %select_n3A_375 : i32
    %ne3A_377 = arith.constant 0 : i32
    %ne3A_378 = arith.cmpi ne, %rem3A_376, %ne3A_377 : i32
    %lt3A_379 = arith.constant 0 : i32
    %lt3A_380 = arith.cmpi slt, %rem3A_376, %lt3A_379 : i32
    %lt3A_381 = arith.constant 0 : i32
    %lt3A_382 = arith.cmpi slt, %select_n3A_375, %lt3A_381 : i32
    %ne3A_383 = arith.xori %lt3A_380, %lt3A_382 : i1
    %and3A_384 = arith.andi %ne3A_383, %ne3A_378 : i1
    %add3A_385 = arith.addi %rem3A_376, %select_n3A_375 : i32
    %select_n3A_386 = arith.select %and3A_384, %add3A_385, %rem3A_376 : i32
    %eq3A_387 = arith.constant 31 : i32
    %eq3A_388 = arith.cmpi eq, %select_n3A_386, %eq3A_387 : i32
    %jit3A_389 = arith.constant 0.00999999977 : f32
    %jit3A_390 = arith.constant 0.000000e+00 : f32
    %select_n3A_391 = arith.select %eq3A_388, %jit3A_389, %jit3A_390 : f32
    %slice3A_392 = vector.extract_strided_slice %get3A_1 {offsets = [639, 0], sizes = [1, 1024], strides = [1, 1]} : vector<2048x1024xf32> to vector<1x1024xf32>
    %mul3A_393 = vector.broadcast %select_n3A_391 : f32 to vector<1x1024xf32>
    %mul3A_394 = arith.mulf %mul3A_393, %slice3A_392 : vector<1x1024xf32>
    %sub3A_395 = arith.subf %broadcast_in_dim3A_366, %mul3A_394 : vector<1x1024xf32>
    %mul3A_396 = arith.mulf %slice3A_392, %slice3A_392 : vector<1x1024xf32>
    %mul3A_397 = vector.broadcast %select_n3A_391 : f32 to vector<1x1024xf32>
    %mul3A_398 = arith.mulf %mul3A_397, %mul3A_396 : vector<1x1024xf32>
    %sub3A_399 = arith.subf %broadcast_in_dim3A_370, %mul3A_398 : vector<1x1024xf32>
    %mul3A_400 = arith.constant 32 : i32
    %mul3A_401 = arith.muli %arg0, %mul3A_400 : i32
    %add3A_402 = arith.constant 10 : i32
    %add3A_403 = arith.addi %mul3A_401, %add3A_402 : i32
    %slice3A_404 = vector.extract_strided_slice %get3A_1 {offsets = [640, 0], sizes = [64, 1024], strides = [1, 1]} : vector<2048x1024xf32> to vector<64x1024xf32>
    %reduce_sum3A_405 = arith.constant dense<0.000000e+00> : vector<1024xf32>
    %reduce_sum3A_406 = vector.multi_reduction <add>, %slice3A_404, %reduce_sum3A_405 [0] : vector<64x1024xf32> to vector<1024xf32>
    %broadcast_in_dim3A_407 = vector.shape_cast %reduce_sum3A_406 : vector<1024xf32> to vector<1x1024xf32>
    %slice3A_408 = vector.extract_strided_slice %mul3A {offsets = [640, 0], sizes = [64, 1024], strides = [1, 1]} : vector<2048x1024xf32> to vector<64x1024xf32>
    %reduce_sum3A_409 = arith.constant dense<0.000000e+00> : vector<1024xf32>
    %reduce_sum3A_410 = vector.multi_reduction <add>, %slice3A_408, %reduce_sum3A_409 [0] : vector<64x1024xf32> to vector<1024xf32>
    %broadcast_in_dim3A_411 = vector.shape_cast %reduce_sum3A_410 : vector<1024xf32> to vector<1x1024xf32>
    %jit3A_412 = arith.constant 32 : i32
    %eq3A_413 = arith.constant 0 : i32
    %eq3A_414 = arith.cmpi eq, %jit3A_412, %eq3A_413 : i32
    %jit3A_415 = arith.constant 1 : i32
    %select_n3A_416 = arith.select %eq3A_414, %jit3A_415, %jit3A_412 : i32
    %rem3A_417 = arith.remsi %add3A_403, %select_n3A_416 : i32
    %ne3A_418 = arith.constant 0 : i32
    %ne3A_419 = arith.cmpi ne, %rem3A_417, %ne3A_418 : i32
    %lt3A_420 = arith.constant 0 : i32
    %lt3A_421 = arith.cmpi slt, %rem3A_417, %lt3A_420 : i32
    %lt3A_422 = arith.constant 0 : i32
    %lt3A_423 = arith.cmpi slt, %select_n3A_416, %lt3A_422 : i32
    %ne3A_424 = arith.xori %lt3A_421, %lt3A_423 : i1
    %and3A_425 = arith.andi %ne3A_424, %ne3A_419 : i1
    %add3A_426 = arith.addi %rem3A_417, %select_n3A_416 : i32
    %select_n3A_427 = arith.select %and3A_425, %add3A_426, %rem3A_417 : i32
    %eq3A_428 = arith.constant 31 : i32
    %eq3A_429 = arith.cmpi eq, %select_n3A_427, %eq3A_428 : i32
    %jit3A_430 = arith.constant 0.00999999977 : f32
    %jit3A_431 = arith.constant 0.000000e+00 : f32
    %select_n3A_432 = arith.select %eq3A_429, %jit3A_430, %jit3A_431 : f32
    %slice3A_433 = vector.extract_strided_slice %get3A_1 {offsets = [703, 0], sizes = [1, 1024], strides = [1, 1]} : vector<2048x1024xf32> to vector<1x1024xf32>
    %mul3A_434 = vector.broadcast %select_n3A_432 : f32 to vector<1x1024xf32>
    %mul3A_435 = arith.mulf %mul3A_434, %slice3A_433 : vector<1x1024xf32>
    %sub3A_436 = arith.subf %broadcast_in_dim3A_407, %mul3A_435 : vector<1x1024xf32>
    %mul3A_437 = arith.mulf %slice3A_433, %slice3A_433 : vector<1x1024xf32>
    %mul3A_438 = vector.broadcast %select_n3A_432 : f32 to vector<1x1024xf32>
    %mul3A_439 = arith.mulf %mul3A_438, %mul3A_437 : vector<1x1024xf32>
    %sub3A_440 = arith.subf %broadcast_in_dim3A_411, %mul3A_439 : vector<1x1024xf32>
    %mul3A_441 = arith.constant 32 : i32
    %mul3A_442 = arith.muli %arg0, %mul3A_441 : i32
    %add3A_443 = arith.constant 11 : i32
    %add3A_444 = arith.addi %mul3A_442, %add3A_443 : i32
    %slice3A_445 = vector.extract_strided_slice %get3A_1 {offsets = [704, 0], sizes = [64, 1024], strides = [1, 1]} : vector<2048x1024xf32> to vector<64x1024xf32>
    %reduce_sum3A_446 = arith.constant dense<0.000000e+00> : vector<1024xf32>
    %reduce_sum3A_447 = vector.multi_reduction <add>, %slice3A_445, %reduce_sum3A_446 [0] : vector<64x1024xf32> to vector<1024xf32>
    %broadcast_in_dim3A_448 = vector.shape_cast %reduce_sum3A_447 : vector<1024xf32> to vector<1x1024xf32>
    %slice3A_449 = vector.extract_strided_slice %mul3A {offsets = [704, 0], sizes = [64, 1024], strides = [1, 1]} : vector<2048x1024xf32> to vector<64x1024xf32>
    %reduce_sum3A_450 = arith.constant dense<0.000000e+00> : vector<1024xf32>
    %reduce_sum3A_451 = vector.multi_reduction <add>, %slice3A_449, %reduce_sum3A_450 [0] : vector<64x1024xf32> to vector<1024xf32>
    %broadcast_in_dim3A_452 = vector.shape_cast %reduce_sum3A_451 : vector<1024xf32> to vector<1x1024xf32>
    %jit3A_453 = arith.constant 32 : i32
    %eq3A_454 = arith.constant 0 : i32
    %eq3A_455 = arith.cmpi eq, %jit3A_453, %eq3A_454 : i32
    %jit3A_456 = arith.constant 1 : i32
    %select_n3A_457 = arith.select %eq3A_455, %jit3A_456, %jit3A_453 : i32
    %rem3A_458 = arith.remsi %add3A_444, %select_n3A_457 : i32
    %ne3A_459 = arith.constant 0 : i32
    %ne3A_460 = arith.cmpi ne, %rem3A_458, %ne3A_459 : i32
    %lt3A_461 = arith.constant 0 : i32
    %lt3A_462 = arith.cmpi slt, %rem3A_458, %lt3A_461 : i32
    %lt3A_463 = arith.constant 0 : i32
    %lt3A_464 = arith.cmpi slt, %select_n3A_457, %lt3A_463 : i32
    %ne3A_465 = arith.xori %lt3A_462, %lt3A_464 : i1
    %and3A_466 = arith.andi %ne3A_465, %ne3A_460 : i1
    %add3A_467 = arith.addi %rem3A_458, %select_n3A_457 : i32
    %select_n3A_468 = arith.select %and3A_466, %add3A_467, %rem3A_458 : i32
    %eq3A_469 = arith.constant 31 : i32
    %eq3A_470 = arith.cmpi eq, %select_n3A_468, %eq3A_469 : i32
    %jit3A_471 = arith.constant 0.00999999977 : f32
    %jit3A_472 = arith.constant 0.000000e+00 : f32
    %select_n3A_473 = arith.select %eq3A_470, %jit3A_471, %jit3A_472 : f32
    %slice3A_474 = vector.extract_strided_slice %get3A_1 {offsets = [767, 0], sizes = [1, 1024], strides = [1, 1]} : vector<2048x1024xf32> to vector<1x1024xf32>
    %mul3A_475 = vector.broadcast %select_n3A_473 : f32 to vector<1x1024xf32>
    %mul3A_476 = arith.mulf %mul3A_475, %slice3A_474 : vector<1x1024xf32>
    %sub3A_477 = arith.subf %broadcast_in_dim3A_448, %mul3A_476 : vector<1x1024xf32>
    %mul3A_478 = arith.mulf %slice3A_474, %slice3A_474 : vector<1x1024xf32>
    %mul3A_479 = vector.broadcast %select_n3A_473 : f32 to vector<1x1024xf32>
    %mul3A_480 = arith.mulf %mul3A_479, %mul3A_478 : vector<1x1024xf32>
    %sub3A_481 = arith.subf %broadcast_in_dim3A_452, %mul3A_480 : vector<1x1024xf32>
    %mul3A_482 = arith.constant 32 : i32
    %mul3A_483 = arith.muli %arg0, %mul3A_482 : i32
    %add3A_484 = arith.constant 12 : i32
    %add3A_485 = arith.addi %mul3A_483, %add3A_484 : i32
    %slice3A_486 = vector.extract_strided_slice %get3A_1 {offsets = [768, 0], sizes = [64, 1024], strides = [1, 1]} : vector<2048x1024xf32> to vector<64x1024xf32>
    %reduce_sum3A_487 = arith.constant dense<0.000000e+00> : vector<1024xf32>
    %reduce_sum3A_488 = vector.multi_reduction <add>, %slice3A_486, %reduce_sum3A_487 [0] : vector<64x1024xf32> to vector<1024xf32>
    %broadcast_in_dim3A_489 = vector.shape_cast %reduce_sum3A_488 : vector<1024xf32> to vector<1x1024xf32>
    %slice3A_490 = vector.extract_strided_slice %mul3A {offsets = [768, 0], sizes = [64, 1024], strides = [1, 1]} : vector<2048x1024xf32> to vector<64x1024xf32>
    %reduce_sum3A_491 = arith.constant dense<0.000000e+00> : vector<1024xf32>
    %reduce_sum3A_492 = vector.multi_reduction <add>, %slice3A_490, %reduce_sum3A_491 [0] : vector<64x1024xf32> to vector<1024xf32>
    %broadcast_in_dim3A_493 = vector.shape_cast %reduce_sum3A_492 : vector<1024xf32> to vector<1x1024xf32>
    %jit3A_494 = arith.constant 32 : i32
    %eq3A_495 = arith.constant 0 : i32
    %eq3A_496 = arith.cmpi eq, %jit3A_494, %eq3A_495 : i32
    %jit3A_497 = arith.constant 1 : i32
    %select_n3A_498 = arith.select %eq3A_496, %jit3A_497, %jit3A_494 : i32
    %rem3A_499 = arith.remsi %add3A_485, %select_n3A_498 : i32
    %ne3A_500 = arith.constant 0 : i32
    %ne3A_501 = arith.cmpi ne, %rem3A_499, %ne3A_500 : i32
    %lt3A_502 = arith.constant 0 : i32
    %lt3A_503 = arith.cmpi slt, %rem3A_499, %lt3A_502 : i32
    %lt3A_504 = arith.constant 0 : i32
    %lt3A_505 = arith.cmpi slt, %select_n3A_498, %lt3A_504 : i32
    %ne3A_506 = arith.xori %lt3A_503, %lt3A_505 : i1
    %and3A_507 = arith.andi %ne3A_506, %ne3A_501 : i1
    %add3A_508 = arith.addi %rem3A_499, %select_n3A_498 : i32
    %select_n3A_509 = arith.select %and3A_507, %add3A_508, %rem3A_499 : i32
    %eq3A_510 = arith.constant 31 : i32
    %eq3A_511 = arith.cmpi eq, %select_n3A_509, %eq3A_510 : i32
    %jit3A_512 = arith.constant 0.00999999977 : f32
    %jit3A_513 = arith.constant 0.000000e+00 : f32
    %select_n3A_514 = arith.select %eq3A_511, %jit3A_512, %jit3A_513 : f32
    %slice3A_515 = vector.extract_strided_slice %get3A_1 {offsets = [831, 0], sizes = [1, 1024], strides = [1, 1]} : vector<2048x1024xf32> to vector<1x1024xf32>
    %mul3A_516 = vector.broadcast %select_n3A_514 : f32 to vector<1x1024xf32>
    %mul3A_517 = arith.mulf %mul3A_516, %slice3A_515 : vector<1x1024xf32>
    %sub3A_518 = arith.subf %broadcast_in_dim3A_489, %mul3A_517 : vector<1x1024xf32>
    %mul3A_519 = arith.mulf %slice3A_515, %slice3A_515 : vector<1x1024xf32>
    %mul3A_520 = vector.broadcast %select_n3A_514 : f32 to vector<1x1024xf32>
    %mul3A_521 = arith.mulf %mul3A_520, %mul3A_519 : vector<1x1024xf32>
    %sub3A_522 = arith.subf %broadcast_in_dim3A_493, %mul3A_521 : vector<1x1024xf32>
    %mul3A_523 = arith.constant 32 : i32
    %mul3A_524 = arith.muli %arg0, %mul3A_523 : i32
    %add3A_525 = arith.constant 13 : i32
    %add3A_526 = arith.addi %mul3A_524, %add3A_525 : i32
    %slice3A_527 = vector.extract_strided_slice %get3A_1 {offsets = [832, 0], sizes = [64, 1024], strides = [1, 1]} : vector<2048x1024xf32> to vector<64x1024xf32>
    %reduce_sum3A_528 = arith.constant dense<0.000000e+00> : vector<1024xf32>
    %reduce_sum3A_529 = vector.multi_reduction <add>, %slice3A_527, %reduce_sum3A_528 [0] : vector<64x1024xf32> to vector<1024xf32>
    %broadcast_in_dim3A_530 = vector.shape_cast %reduce_sum3A_529 : vector<1024xf32> to vector<1x1024xf32>
    %slice3A_531 = vector.extract_strided_slice %mul3A {offsets = [832, 0], sizes = [64, 1024], strides = [1, 1]} : vector<2048x1024xf32> to vector<64x1024xf32>
    %reduce_sum3A_532 = arith.constant dense<0.000000e+00> : vector<1024xf32>
    %reduce_sum3A_533 = vector.multi_reduction <add>, %slice3A_531, %reduce_sum3A_532 [0] : vector<64x1024xf32> to vector<1024xf32>
    %broadcast_in_dim3A_534 = vector.shape_cast %reduce_sum3A_533 : vector<1024xf32> to vector<1x1024xf32>
    %jit3A_535 = arith.constant 32 : i32
    %eq3A_536 = arith.constant 0 : i32
    %eq3A_537 = arith.cmpi eq, %jit3A_535, %eq3A_536 : i32
    %jit3A_538 = arith.constant 1 : i32
    %select_n3A_539 = arith.select %eq3A_537, %jit3A_538, %jit3A_535 : i32
    %rem3A_540 = arith.remsi %add3A_526, %select_n3A_539 : i32
    %ne3A_541 = arith.constant 0 : i32
    %ne3A_542 = arith.cmpi ne, %rem3A_540, %ne3A_541 : i32
    %lt3A_543 = arith.constant 0 : i32
    %lt3A_544 = arith.cmpi slt, %rem3A_540, %lt3A_543 : i32
    %lt3A_545 = arith.constant 0 : i32
    %lt3A_546 = arith.cmpi slt, %select_n3A_539, %lt3A_545 : i32
    %ne3A_547 = arith.xori %lt3A_544, %lt3A_546 : i1
    %and3A_548 = arith.andi %ne3A_547, %ne3A_542 : i1
    %add3A_549 = arith.addi %rem3A_540, %select_n3A_539 : i32
    %select_n3A_550 = arith.select %and3A_548, %add3A_549, %rem3A_540 : i32
    %eq3A_551 = arith.constant 31 : i32
    %eq3A_552 = arith.cmpi eq, %select_n3A_550, %eq3A_551 : i32
    %jit3A_553 = arith.constant 0.00999999977 : f32
    %jit3A_554 = arith.constant 0.000000e+00 : f32
    %select_n3A_555 = arith.select %eq3A_552, %jit3A_553, %jit3A_554 : f32
    %slice3A_556 = vector.extract_strided_slice %get3A_1 {offsets = [895, 0], sizes = [1, 1024], strides = [1, 1]} : vector<2048x1024xf32> to vector<1x1024xf32>
    %mul3A_557 = vector.broadcast %select_n3A_555 : f32 to vector<1x1024xf32>
    %mul3A_558 = arith.mulf %mul3A_557, %slice3A_556 : vector<1x1024xf32>
    %sub3A_559 = arith.subf %broadcast_in_dim3A_530, %mul3A_558 : vector<1x1024xf32>
    %mul3A_560 = arith.mulf %slice3A_556, %slice3A_556 : vector<1x1024xf32>
    %mul3A_561 = vector.broadcast %select_n3A_555 : f32 to vector<1x1024xf32>
    %mul3A_562 = arith.mulf %mul3A_561, %mul3A_560 : vector<1x1024xf32>
    %sub3A_563 = arith.subf %broadcast_in_dim3A_534, %mul3A_562 : vector<1x1024xf32>
    %mul3A_564 = arith.constant 32 : i32
    %mul3A_565 = arith.muli %arg0, %mul3A_564 : i32
    %add3A_566 = arith.constant 14 : i32
    %add3A_567 = arith.addi %mul3A_565, %add3A_566 : i32
    %slice3A_568 = vector.extract_strided_slice %get3A_1 {offsets = [896, 0], sizes = [64, 1024], strides = [1, 1]} : vector<2048x1024xf32> to vector<64x1024xf32>
    %reduce_sum3A_569 = arith.constant dense<0.000000e+00> : vector<1024xf32>
    %reduce_sum3A_570 = vector.multi_reduction <add>, %slice3A_568, %reduce_sum3A_569 [0] : vector<64x1024xf32> to vector<1024xf32>
    %broadcast_in_dim3A_571 = vector.shape_cast %reduce_sum3A_570 : vector<1024xf32> to vector<1x1024xf32>
    %slice3A_572 = vector.extract_strided_slice %mul3A {offsets = [896, 0], sizes = [64, 1024], strides = [1, 1]} : vector<2048x1024xf32> to vector<64x1024xf32>
    %reduce_sum3A_573 = arith.constant dense<0.000000e+00> : vector<1024xf32>
    %reduce_sum3A_574 = vector.multi_reduction <add>, %slice3A_572, %reduce_sum3A_573 [0] : vector<64x1024xf32> to vector<1024xf32>
    %broadcast_in_dim3A_575 = vector.shape_cast %reduce_sum3A_574 : vector<1024xf32> to vector<1x1024xf32>
    %jit3A_576 = arith.constant 32 : i32
    %eq3A_577 = arith.constant 0 : i32
    %eq3A_578 = arith.cmpi eq, %jit3A_576, %eq3A_577 : i32
    %jit3A_579 = arith.constant 1 : i32
    %select_n3A_580 = arith.select %eq3A_578, %jit3A_579, %jit3A_576 : i32
    %rem3A_581 = arith.remsi %add3A_567, %select_n3A_580 : i32
    %ne3A_582 = arith.constant 0 : i32
    %ne3A_583 = arith.cmpi ne, %rem3A_581, %ne3A_582 : i32
    %lt3A_584 = arith.constant 0 : i32
    %lt3A_585 = arith.cmpi slt, %rem3A_581, %lt3A_584 : i32
    %lt3A_586 = arith.constant 0 : i32
    %lt3A_587 = arith.cmpi slt, %select_n3A_580, %lt3A_586 : i32
    %ne3A_588 = arith.xori %lt3A_585, %lt3A_587 : i1
    %and3A_589 = arith.andi %ne3A_588, %ne3A_583 : i1
    %add3A_590 = arith.addi %rem3A_581, %select_n3A_580 : i32
    %select_n3A_591 = arith.select %and3A_589, %add3A_590, %rem3A_581 : i32
    %eq3A_592 = arith.constant 31 : i32
    %eq3A_593 = arith.cmpi eq, %select_n3A_591, %eq3A_592 : i32
    %jit3A_594 = arith.constant 0.00999999977 : f32
    %jit3A_595 = arith.constant 0.000000e+00 : f32
    %select_n3A_596 = arith.select %eq3A_593, %jit3A_594, %jit3A_595 : f32
    %slice3A_597 = vector.extract_strided_slice %get3A_1 {offsets = [959, 0], sizes = [1, 1024], strides = [1, 1]} : vector<2048x1024xf32> to vector<1x1024xf32>
    %mul3A_598 = vector.broadcast %select_n3A_596 : f32 to vector<1x1024xf32>
    %mul3A_599 = arith.mulf %mul3A_598, %slice3A_597 : vector<1x1024xf32>
    %sub3A_600 = arith.subf %broadcast_in_dim3A_571, %mul3A_599 : vector<1x1024xf32>
    %mul3A_601 = arith.mulf %slice3A_597, %slice3A_597 : vector<1x1024xf32>
    %mul3A_602 = vector.broadcast %select_n3A_596 : f32 to vector<1x1024xf32>
    %mul3A_603 = arith.mulf %mul3A_602, %mul3A_601 : vector<1x1024xf32>
    %sub3A_604 = arith.subf %broadcast_in_dim3A_575, %mul3A_603 : vector<1x1024xf32>
    %mul3A_605 = arith.constant 32 : i32
    %mul3A_606 = arith.muli %arg0, %mul3A_605 : i32
    %add3A_607 = arith.constant 15 : i32
    %add3A_608 = arith.addi %mul3A_606, %add3A_607 : i32
    %slice3A_609 = vector.extract_strided_slice %get3A_1 {offsets = [960, 0], sizes = [64, 1024], strides = [1, 1]} : vector<2048x1024xf32> to vector<64x1024xf32>
    %reduce_sum3A_610 = arith.constant dense<0.000000e+00> : vector<1024xf32>
    %reduce_sum3A_611 = vector.multi_reduction <add>, %slice3A_609, %reduce_sum3A_610 [0] : vector<64x1024xf32> to vector<1024xf32>
    %broadcast_in_dim3A_612 = vector.shape_cast %reduce_sum3A_611 : vector<1024xf32> to vector<1x1024xf32>
    %slice3A_613 = vector.extract_strided_slice %mul3A {offsets = [960, 0], sizes = [64, 1024], strides = [1, 1]} : vector<2048x1024xf32> to vector<64x1024xf32>
    %reduce_sum3A_614 = arith.constant dense<0.000000e+00> : vector<1024xf32>
    %reduce_sum3A_615 = vector.multi_reduction <add>, %slice3A_613, %reduce_sum3A_614 [0] : vector<64x1024xf32> to vector<1024xf32>
    %broadcast_in_dim3A_616 = vector.shape_cast %reduce_sum3A_615 : vector<1024xf32> to vector<1x1024xf32>
    %jit3A_617 = arith.constant 32 : i32
    %eq3A_618 = arith.constant 0 : i32
    %eq3A_619 = arith.cmpi eq, %jit3A_617, %eq3A_618 : i32
    %jit3A_620 = arith.constant 1 : i32
    %select_n3A_621 = arith.select %eq3A_619, %jit3A_620, %jit3A_617 : i32
    %rem3A_622 = arith.remsi %add3A_608, %select_n3A_621 : i32
    %ne3A_623 = arith.constant 0 : i32
    %ne3A_624 = arith.cmpi ne, %rem3A_622, %ne3A_623 : i32
    %lt3A_625 = arith.constant 0 : i32
    %lt3A_626 = arith.cmpi slt, %rem3A_622, %lt3A_625 : i32
    %lt3A_627 = arith.constant 0 : i32
    %lt3A_628 = arith.cmpi slt, %select_n3A_621, %lt3A_627 : i32
    %ne3A_629 = arith.xori %lt3A_626, %lt3A_628 : i1
    %and3A_630 = arith.andi %ne3A_629, %ne3A_624 : i1
    %add3A_631 = arith.addi %rem3A_622, %select_n3A_621 : i32
    %select_n3A_632 = arith.select %and3A_630, %add3A_631, %rem3A_622 : i32
    %eq3A_633 = arith.constant 31 : i32
    %eq3A_634 = arith.cmpi eq, %select_n3A_632, %eq3A_633 : i32
    %jit3A_635 = arith.constant 0.00999999977 : f32
    %jit3A_636 = arith.constant 0.000000e+00 : f32
    %select_n3A_637 = arith.select %eq3A_634, %jit3A_635, %jit3A_636 : f32
    %slice3A_638 = vector.extract_strided_slice %get3A_1 {offsets = [1023, 0], sizes = [1, 1024], strides = [1, 1]} : vector<2048x1024xf32> to vector<1x1024xf32>
    %mul3A_639 = vector.broadcast %select_n3A_637 : f32 to vector<1x1024xf32>
    %mul3A_640 = arith.mulf %mul3A_639, %slice3A_638 : vector<1x1024xf32>
    %sub3A_641 = arith.subf %broadcast_in_dim3A_612, %mul3A_640 : vector<1x1024xf32>
    %mul3A_642 = arith.mulf %slice3A_638, %slice3A_638 : vector<1x1024xf32>
    %mul3A_643 = vector.broadcast %select_n3A_637 : f32 to vector<1x1024xf32>
    %mul3A_644 = arith.mulf %mul3A_643, %mul3A_642 : vector<1x1024xf32>
    %sub3A_645 = arith.subf %broadcast_in_dim3A_616, %mul3A_644 : vector<1x1024xf32>
    %mul3A_646 = arith.constant 32 : i32
    %mul3A_647 = arith.muli %arg0, %mul3A_646 : i32
    %add3A_648 = arith.constant 16 : i32
    %add3A_649 = arith.addi %mul3A_647, %add3A_648 : i32
    %slice3A_650 = vector.extract_strided_slice %get3A_1 {offsets = [1024, 0], sizes = [64, 1024], strides = [1, 1]} : vector<2048x1024xf32> to vector<64x1024xf32>
    %reduce_sum3A_651 = arith.constant dense<0.000000e+00> : vector<1024xf32>
    %reduce_sum3A_652 = vector.multi_reduction <add>, %slice3A_650, %reduce_sum3A_651 [0] : vector<64x1024xf32> to vector<1024xf32>
    %broadcast_in_dim3A_653 = vector.shape_cast %reduce_sum3A_652 : vector<1024xf32> to vector<1x1024xf32>
    %slice3A_654 = vector.extract_strided_slice %mul3A {offsets = [1024, 0], sizes = [64, 1024], strides = [1, 1]} : vector<2048x1024xf32> to vector<64x1024xf32>
    %reduce_sum3A_655 = arith.constant dense<0.000000e+00> : vector<1024xf32>
    %reduce_sum3A_656 = vector.multi_reduction <add>, %slice3A_654, %reduce_sum3A_655 [0] : vector<64x1024xf32> to vector<1024xf32>
    %broadcast_in_dim3A_657 = vector.shape_cast %reduce_sum3A_656 : vector<1024xf32> to vector<1x1024xf32>
    %jit3A_658 = arith.constant 32 : i32
    %eq3A_659 = arith.constant 0 : i32
    %eq3A_660 = arith.cmpi eq, %jit3A_658, %eq3A_659 : i32
    %jit3A_661 = arith.constant 1 : i32
    %select_n3A_662 = arith.select %eq3A_660, %jit3A_661, %jit3A_658 : i32
    %rem3A_663 = arith.remsi %add3A_649, %select_n3A_662 : i32
    %ne3A_664 = arith.constant 0 : i32
    %ne3A_665 = arith.cmpi ne, %rem3A_663, %ne3A_664 : i32
    %lt3A_666 = arith.constant 0 : i32
    %lt3A_667 = arith.cmpi slt, %rem3A_663, %lt3A_666 : i32
    %lt3A_668 = arith.constant 0 : i32
    %lt3A_669 = arith.cmpi slt, %select_n3A_662, %lt3A_668 : i32
    %ne3A_670 = arith.xori %lt3A_667, %lt3A_669 : i1
    %and3A_671 = arith.andi %ne3A_670, %ne3A_665 : i1
    %add3A_672 = arith.addi %rem3A_663, %select_n3A_662 : i32
    %select_n3A_673 = arith.select %and3A_671, %add3A_672, %rem3A_663 : i32
    %eq3A_674 = arith.constant 31 : i32
    %eq3A_675 = arith.cmpi eq, %select_n3A_673, %eq3A_674 : i32
    %jit3A_676 = arith.constant 0.00999999977 : f32
    %jit3A_677 = arith.constant 0.000000e+00 : f32
    %select_n3A_678 = arith.select %eq3A_675, %jit3A_676, %jit3A_677 : f32
    %slice3A_679 = vector.extract_strided_slice %get3A_1 {offsets = [1087, 0], sizes = [1, 1024], strides = [1, 1]} : vector<2048x1024xf32> to vector<1x1024xf32>
    %mul3A_680 = vector.broadcast %select_n3A_678 : f32 to vector<1x1024xf32>
    %mul3A_681 = arith.mulf %mul3A_680, %slice3A_679 : vector<1x1024xf32>
    %sub3A_682 = arith.subf %broadcast_in_dim3A_653, %mul3A_681 : vector<1x1024xf32>
    %mul3A_683 = arith.mulf %slice3A_679, %slice3A_679 : vector<1x1024xf32>
    %mul3A_684 = vector.broadcast %select_n3A_678 : f32 to vector<1x1024xf32>
    %mul3A_685 = arith.mulf %mul3A_684, %mul3A_683 : vector<1x1024xf32>
    %sub3A_686 = arith.subf %broadcast_in_dim3A_657, %mul3A_685 : vector<1x1024xf32>
    %mul3A_687 = arith.constant 32 : i32
    %mul3A_688 = arith.muli %arg0, %mul3A_687 : i32
    %add3A_689 = arith.constant 17 : i32
    %add3A_690 = arith.addi %mul3A_688, %add3A_689 : i32
    %slice3A_691 = vector.extract_strided_slice %get3A_1 {offsets = [1088, 0], sizes = [64, 1024], strides = [1, 1]} : vector<2048x1024xf32> to vector<64x1024xf32>
    %reduce_sum3A_692 = arith.constant dense<0.000000e+00> : vector<1024xf32>
    %reduce_sum3A_693 = vector.multi_reduction <add>, %slice3A_691, %reduce_sum3A_692 [0] : vector<64x1024xf32> to vector<1024xf32>
    %broadcast_in_dim3A_694 = vector.shape_cast %reduce_sum3A_693 : vector<1024xf32> to vector<1x1024xf32>
    %slice3A_695 = vector.extract_strided_slice %mul3A {offsets = [1088, 0], sizes = [64, 1024], strides = [1, 1]} : vector<2048x1024xf32> to vector<64x1024xf32>
    %reduce_sum3A_696 = arith.constant dense<0.000000e+00> : vector<1024xf32>
    %reduce_sum3A_697 = vector.multi_reduction <add>, %slice3A_695, %reduce_sum3A_696 [0] : vector<64x1024xf32> to vector<1024xf32>
    %broadcast_in_dim3A_698 = vector.shape_cast %reduce_sum3A_697 : vector<1024xf32> to vector<1x1024xf32>
    %jit3A_699 = arith.constant 32 : i32
    %eq3A_700 = arith.constant 0 : i32
    %eq3A_701 = arith.cmpi eq, %jit3A_699, %eq3A_700 : i32
    %jit3A_702 = arith.constant 1 : i32
    %select_n3A_703 = arith.select %eq3A_701, %jit3A_702, %jit3A_699 : i32
    %rem3A_704 = arith.remsi %add3A_690, %select_n3A_703 : i32
    %ne3A_705 = arith.constant 0 : i32
    %ne3A_706 = arith.cmpi ne, %rem3A_704, %ne3A_705 : i32
    %lt3A_707 = arith.constant 0 : i32
    %lt3A_708 = arith.cmpi slt, %rem3A_704, %lt3A_707 : i32
    %lt3A_709 = arith.constant 0 : i32
    %lt3A_710 = arith.cmpi slt, %select_n3A_703, %lt3A_709 : i32
    %ne3A_711 = arith.xori %lt3A_708, %lt3A_710 : i1
    %and3A_712 = arith.andi %ne3A_711, %ne3A_706 : i1
    %add3A_713 = arith.addi %rem3A_704, %select_n3A_703 : i32
    %select_n3A_714 = arith.select %and3A_712, %add3A_713, %rem3A_704 : i32
    %eq3A_715 = arith.constant 31 : i32
    %eq3A_716 = arith.cmpi eq, %select_n3A_714, %eq3A_715 : i32
    %jit3A_717 = arith.constant 0.00999999977 : f32
    %jit3A_718 = arith.constant 0.000000e+00 : f32
    %select_n3A_719 = arith.select %eq3A_716, %jit3A_717, %jit3A_718 : f32
    %slice3A_720 = vector.extract_strided_slice %get3A_1 {offsets = [1151, 0], sizes = [1, 1024], strides = [1, 1]} : vector<2048x1024xf32> to vector<1x1024xf32>
    %mul3A_721 = vector.broadcast %select_n3A_719 : f32 to vector<1x1024xf32>
    %mul3A_722 = arith.mulf %mul3A_721, %slice3A_720 : vector<1x1024xf32>
    %sub3A_723 = arith.subf %broadcast_in_dim3A_694, %mul3A_722 : vector<1x1024xf32>
    %mul3A_724 = arith.mulf %slice3A_720, %slice3A_720 : vector<1x1024xf32>
    %mul3A_725 = vector.broadcast %select_n3A_719 : f32 to vector<1x1024xf32>
    %mul3A_726 = arith.mulf %mul3A_725, %mul3A_724 : vector<1x1024xf32>
    %sub3A_727 = arith.subf %broadcast_in_dim3A_698, %mul3A_726 : vector<1x1024xf32>
    %mul3A_728 = arith.constant 32 : i32
    %mul3A_729 = arith.muli %arg0, %mul3A_728 : i32
    %add3A_730 = arith.constant 18 : i32
    %add3A_731 = arith.addi %mul3A_729, %add3A_730 : i32
    %slice3A_732 = vector.extract_strided_slice %get3A_1 {offsets = [1152, 0], sizes = [64, 1024], strides = [1, 1]} : vector<2048x1024xf32> to vector<64x1024xf32>
    %reduce_sum3A_733 = arith.constant dense<0.000000e+00> : vector<1024xf32>
    %reduce_sum3A_734 = vector.multi_reduction <add>, %slice3A_732, %reduce_sum3A_733 [0] : vector<64x1024xf32> to vector<1024xf32>
    %broadcast_in_dim3A_735 = vector.shape_cast %reduce_sum3A_734 : vector<1024xf32> to vector<1x1024xf32>
    %slice3A_736 = vector.extract_strided_slice %mul3A {offsets = [1152, 0], sizes = [64, 1024], strides = [1, 1]} : vector<2048x1024xf32> to vector<64x1024xf32>
    %reduce_sum3A_737 = arith.constant dense<0.000000e+00> : vector<1024xf32>
    %reduce_sum3A_738 = vector.multi_reduction <add>, %slice3A_736, %reduce_sum3A_737 [0] : vector<64x1024xf32> to vector<1024xf32>
    %broadcast_in_dim3A_739 = vector.shape_cast %reduce_sum3A_738 : vector<1024xf32> to vector<1x1024xf32>
    %jit3A_740 = arith.constant 32 : i32
    %eq3A_741 = arith.constant 0 : i32
    %eq3A_742 = arith.cmpi eq, %jit3A_740, %eq3A_741 : i32
    %jit3A_743 = arith.constant 1 : i32
    %select_n3A_744 = arith.select %eq3A_742, %jit3A_743, %jit3A_740 : i32
    %rem3A_745 = arith.remsi %add3A_731, %select_n3A_744 : i32
    %ne3A_746 = arith.constant 0 : i32
    %ne3A_747 = arith.cmpi ne, %rem3A_745, %ne3A_746 : i32
    %lt3A_748 = arith.constant 0 : i32
    %lt3A_749 = arith.cmpi slt, %rem3A_745, %lt3A_748 : i32
    %lt3A_750 = arith.constant 0 : i32
    %lt3A_751 = arith.cmpi slt, %select_n3A_744, %lt3A_750 : i32
    %ne3A_752 = arith.xori %lt3A_749, %lt3A_751 : i1
    %and3A_753 = arith.andi %ne3A_752, %ne3A_747 : i1
    %add3A_754 = arith.addi %rem3A_745, %select_n3A_744 : i32
    %select_n3A_755 = arith.select %and3A_753, %add3A_754, %rem3A_745 : i32
    %eq3A_756 = arith.constant 31 : i32
    %eq3A_757 = arith.cmpi eq, %select_n3A_755, %eq3A_756 : i32
    %jit3A_758 = arith.constant 0.00999999977 : f32
    %jit3A_759 = arith.constant 0.000000e+00 : f32
    %select_n3A_760 = arith.select %eq3A_757, %jit3A_758, %jit3A_759 : f32
    %slice3A_761 = vector.extract_strided_slice %get3A_1 {offsets = [1215, 0], sizes = [1, 1024], strides = [1, 1]} : vector<2048x1024xf32> to vector<1x1024xf32>
    %mul3A_762 = vector.broadcast %select_n3A_760 : f32 to vector<1x1024xf32>
    %mul3A_763 = arith.mulf %mul3A_762, %slice3A_761 : vector<1x1024xf32>
    %sub3A_764 = arith.subf %broadcast_in_dim3A_735, %mul3A_763 : vector<1x1024xf32>
    %mul3A_765 = arith.mulf %slice3A_761, %slice3A_761 : vector<1x1024xf32>
    %mul3A_766 = vector.broadcast %select_n3A_760 : f32 to vector<1x1024xf32>
    %mul3A_767 = arith.mulf %mul3A_766, %mul3A_765 : vector<1x1024xf32>
    %sub3A_768 = arith.subf %broadcast_in_dim3A_739, %mul3A_767 : vector<1x1024xf32>
    %mul3A_769 = arith.constant 32 : i32
    %mul3A_770 = arith.muli %arg0, %mul3A_769 : i32
    %add3A_771 = arith.constant 19 : i32
    %add3A_772 = arith.addi %mul3A_770, %add3A_771 : i32
    %slice3A_773 = vector.extract_strided_slice %get3A_1 {offsets = [1216, 0], sizes = [64, 1024], strides = [1, 1]} : vector<2048x1024xf32> to vector<64x1024xf32>
    %reduce_sum3A_774 = arith.constant dense<0.000000e+00> : vector<1024xf32>
    %reduce_sum3A_775 = vector.multi_reduction <add>, %slice3A_773, %reduce_sum3A_774 [0] : vector<64x1024xf32> to vector<1024xf32>
    %broadcast_in_dim3A_776 = vector.shape_cast %reduce_sum3A_775 : vector<1024xf32> to vector<1x1024xf32>
    %slice3A_777 = vector.extract_strided_slice %mul3A {offsets = [1216, 0], sizes = [64, 1024], strides = [1, 1]} : vector<2048x1024xf32> to vector<64x1024xf32>
    %reduce_sum3A_778 = arith.constant dense<0.000000e+00> : vector<1024xf32>
    %reduce_sum3A_779 = vector.multi_reduction <add>, %slice3A_777, %reduce_sum3A_778 [0] : vector<64x1024xf32> to vector<1024xf32>
    %broadcast_in_dim3A_780 = vector.shape_cast %reduce_sum3A_779 : vector<1024xf32> to vector<1x1024xf32>
    %jit3A_781 = arith.constant 32 : i32
    %eq3A_782 = arith.constant 0 : i32
    %eq3A_783 = arith.cmpi eq, %jit3A_781, %eq3A_782 : i32
    %jit3A_784 = arith.constant 1 : i32
    %select_n3A_785 = arith.select %eq3A_783, %jit3A_784, %jit3A_781 : i32
    %rem3A_786 = arith.remsi %add3A_772, %select_n3A_785 : i32
    %ne3A_787 = arith.constant 0 : i32
    %ne3A_788 = arith.cmpi ne, %rem3A_786, %ne3A_787 : i32
    %lt3A_789 = arith.constant 0 : i32
    %lt3A_790 = arith.cmpi slt, %rem3A_786, %lt3A_789 : i32
    %lt3A_791 = arith.constant 0 : i32
    %lt3A_792 = arith.cmpi slt, %select_n3A_785, %lt3A_791 : i32
    %ne3A_793 = arith.xori %lt3A_790, %lt3A_792 : i1
    %and3A_794 = arith.andi %ne3A_793, %ne3A_788 : i1
    %add3A_795 = arith.addi %rem3A_786, %select_n3A_785 : i32
    %select_n3A_796 = arith.select %and3A_794, %add3A_795, %rem3A_786 : i32
    %eq3A_797 = arith.constant 31 : i32
    %eq3A_798 = arith.cmpi eq, %select_n3A_796, %eq3A_797 : i32
    %jit3A_799 = arith.constant 0.00999999977 : f32
    %jit3A_800 = arith.constant 0.000000e+00 : f32
    %select_n3A_801 = arith.select %eq3A_798, %jit3A_799, %jit3A_800 : f32
    %slice3A_802 = vector.extract_strided_slice %get3A_1 {offsets = [1279, 0], sizes = [1, 1024], strides = [1, 1]} : vector<2048x1024xf32> to vector<1x1024xf32>
    %mul3A_803 = vector.broadcast %select_n3A_801 : f32 to vector<1x1024xf32>
    %mul3A_804 = arith.mulf %mul3A_803, %slice3A_802 : vector<1x1024xf32>
    %sub3A_805 = arith.subf %broadcast_in_dim3A_776, %mul3A_804 : vector<1x1024xf32>
    %mul3A_806 = arith.mulf %slice3A_802, %slice3A_802 : vector<1x1024xf32>
    %mul3A_807 = vector.broadcast %select_n3A_801 : f32 to vector<1x1024xf32>
    %mul3A_808 = arith.mulf %mul3A_807, %mul3A_806 : vector<1x1024xf32>
    %sub3A_809 = arith.subf %broadcast_in_dim3A_780, %mul3A_808 : vector<1x1024xf32>
    %mul3A_810 = arith.constant 32 : i32
    %mul3A_811 = arith.muli %arg0, %mul3A_810 : i32
    %add3A_812 = arith.constant 20 : i32
    %add3A_813 = arith.addi %mul3A_811, %add3A_812 : i32
    %slice3A_814 = vector.extract_strided_slice %get3A_1 {offsets = [1280, 0], sizes = [64, 1024], strides = [1, 1]} : vector<2048x1024xf32> to vector<64x1024xf32>
    %reduce_sum3A_815 = arith.constant dense<0.000000e+00> : vector<1024xf32>
    %reduce_sum3A_816 = vector.multi_reduction <add>, %slice3A_814, %reduce_sum3A_815 [0] : vector<64x1024xf32> to vector<1024xf32>
    %broadcast_in_dim3A_817 = vector.shape_cast %reduce_sum3A_816 : vector<1024xf32> to vector<1x1024xf32>
    %slice3A_818 = vector.extract_strided_slice %mul3A {offsets = [1280, 0], sizes = [64, 1024], strides = [1, 1]} : vector<2048x1024xf32> to vector<64x1024xf32>
    %reduce_sum3A_819 = arith.constant dense<0.000000e+00> : vector<1024xf32>
    %reduce_sum3A_820 = vector.multi_reduction <add>, %slice3A_818, %reduce_sum3A_819 [0] : vector<64x1024xf32> to vector<1024xf32>
    %broadcast_in_dim3A_821 = vector.shape_cast %reduce_sum3A_820 : vector<1024xf32> to vector<1x1024xf32>
    %jit3A_822 = arith.constant 32 : i32
    %eq3A_823 = arith.constant 0 : i32
    %eq3A_824 = arith.cmpi eq, %jit3A_822, %eq3A_823 : i32
    %jit3A_825 = arith.constant 1 : i32
    %select_n3A_826 = arith.select %eq3A_824, %jit3A_825, %jit3A_822 : i32
    %rem3A_827 = arith.remsi %add3A_813, %select_n3A_826 : i32
    %ne3A_828 = arith.constant 0 : i32
    %ne3A_829 = arith.cmpi ne, %rem3A_827, %ne3A_828 : i32
    %lt3A_830 = arith.constant 0 : i32
    %lt3A_831 = arith.cmpi slt, %rem3A_827, %lt3A_830 : i32
    %lt3A_832 = arith.constant 0 : i32
    %lt3A_833 = arith.cmpi slt, %select_n3A_826, %lt3A_832 : i32
    %ne3A_834 = arith.xori %lt3A_831, %lt3A_833 : i1
    %and3A_835 = arith.andi %ne3A_834, %ne3A_829 : i1
    %add3A_836 = arith.addi %rem3A_827, %select_n3A_826 : i32
    %select_n3A_837 = arith.select %and3A_835, %add3A_836, %rem3A_827 : i32
    %eq3A_838 = arith.constant 31 : i32
    %eq3A_839 = arith.cmpi eq, %select_n3A_837, %eq3A_838 : i32
    %jit3A_840 = arith.constant 0.00999999977 : f32
    %jit3A_841 = arith.constant 0.000000e+00 : f32
    %select_n3A_842 = arith.select %eq3A_839, %jit3A_840, %jit3A_841 : f32
    %slice3A_843 = vector.extract_strided_slice %get3A_1 {offsets = [1343, 0], sizes = [1, 1024], strides = [1, 1]} : vector<2048x1024xf32> to vector<1x1024xf32>
    %mul3A_844 = vector.broadcast %select_n3A_842 : f32 to vector<1x1024xf32>
    %mul3A_845 = arith.mulf %mul3A_844, %slice3A_843 : vector<1x1024xf32>
    %sub3A_846 = arith.subf %broadcast_in_dim3A_817, %mul3A_845 : vector<1x1024xf32>
    %mul3A_847 = arith.mulf %slice3A_843, %slice3A_843 : vector<1x1024xf32>
    %mul3A_848 = vector.broadcast %select_n3A_842 : f32 to vector<1x1024xf32>
    %mul3A_849 = arith.mulf %mul3A_848, %mul3A_847 : vector<1x1024xf32>
    %sub3A_850 = arith.subf %broadcast_in_dim3A_821, %mul3A_849 : vector<1x1024xf32>
    %mul3A_851 = arith.constant 32 : i32
    %mul3A_852 = arith.muli %arg0, %mul3A_851 : i32
    %add3A_853 = arith.constant 21 : i32
    %add3A_854 = arith.addi %mul3A_852, %add3A_853 : i32
    %slice3A_855 = vector.extract_strided_slice %get3A_1 {offsets = [1344, 0], sizes = [64, 1024], strides = [1, 1]} : vector<2048x1024xf32> to vector<64x1024xf32>
    %reduce_sum3A_856 = arith.constant dense<0.000000e+00> : vector<1024xf32>
    %reduce_sum3A_857 = vector.multi_reduction <add>, %slice3A_855, %reduce_sum3A_856 [0] : vector<64x1024xf32> to vector<1024xf32>
    %broadcast_in_dim3A_858 = vector.shape_cast %reduce_sum3A_857 : vector<1024xf32> to vector<1x1024xf32>
    %slice3A_859 = vector.extract_strided_slice %mul3A {offsets = [1344, 0], sizes = [64, 1024], strides = [1, 1]} : vector<2048x1024xf32> to vector<64x1024xf32>
    %reduce_sum3A_860 = arith.constant dense<0.000000e+00> : vector<1024xf32>
    %reduce_sum3A_861 = vector.multi_reduction <add>, %slice3A_859, %reduce_sum3A_860 [0] : vector<64x1024xf32> to vector<1024xf32>
    %broadcast_in_dim3A_862 = vector.shape_cast %reduce_sum3A_861 : vector<1024xf32> to vector<1x1024xf32>
    %jit3A_863 = arith.constant 32 : i32
    %eq3A_864 = arith.constant 0 : i32
    %eq3A_865 = arith.cmpi eq, %jit3A_863, %eq3A_864 : i32
    %jit3A_866 = arith.constant 1 : i32
    %select_n3A_867 = arith.select %eq3A_865, %jit3A_866, %jit3A_863 : i32
    %rem3A_868 = arith.remsi %add3A_854, %select_n3A_867 : i32
    %ne3A_869 = arith.constant 0 : i32
    %ne3A_870 = arith.cmpi ne, %rem3A_868, %ne3A_869 : i32
    %lt3A_871 = arith.constant 0 : i32
    %lt3A_872 = arith.cmpi slt, %rem3A_868, %lt3A_871 : i32
    %lt3A_873 = arith.constant 0 : i32
    %lt3A_874 = arith.cmpi slt, %select_n3A_867, %lt3A_873 : i32
    %ne3A_875 = arith.xori %lt3A_872, %lt3A_874 : i1
    %and3A_876 = arith.andi %ne3A_875, %ne3A_870 : i1
    %add3A_877 = arith.addi %rem3A_868, %select_n3A_867 : i32
    %select_n3A_878 = arith.select %and3A_876, %add3A_877, %rem3A_868 : i32
    %eq3A_879 = arith.constant 31 : i32
    %eq3A_880 = arith.cmpi eq, %select_n3A_878, %eq3A_879 : i32
    %jit3A_881 = arith.constant 0.00999999977 : f32
    %jit3A_882 = arith.constant 0.000000e+00 : f32
    %select_n3A_883 = arith.select %eq3A_880, %jit3A_881, %jit3A_882 : f32
    %slice3A_884 = vector.extract_strided_slice %get3A_1 {offsets = [1407, 0], sizes = [1, 1024], strides = [1, 1]} : vector<2048x1024xf32> to vector<1x1024xf32>
    %mul3A_885 = vector.broadcast %select_n3A_883 : f32 to vector<1x1024xf32>
    %mul3A_886 = arith.mulf %mul3A_885, %slice3A_884 : vector<1x1024xf32>
    %sub3A_887 = arith.subf %broadcast_in_dim3A_858, %mul3A_886 : vector<1x1024xf32>
    %mul3A_888 = arith.mulf %slice3A_884, %slice3A_884 : vector<1x1024xf32>
    %mul3A_889 = vector.broadcast %select_n3A_883 : f32 to vector<1x1024xf32>
    %mul3A_890 = arith.mulf %mul3A_889, %mul3A_888 : vector<1x1024xf32>
    %sub3A_891 = arith.subf %broadcast_in_dim3A_862, %mul3A_890 : vector<1x1024xf32>
    %mul3A_892 = arith.constant 32 : i32
    %mul3A_893 = arith.muli %arg0, %mul3A_892 : i32
    %add3A_894 = arith.constant 22 : i32
    %add3A_895 = arith.addi %mul3A_893, %add3A_894 : i32
    %slice3A_896 = vector.extract_strided_slice %get3A_1 {offsets = [1408, 0], sizes = [64, 1024], strides = [1, 1]} : vector<2048x1024xf32> to vector<64x1024xf32>
    %reduce_sum3A_897 = arith.constant dense<0.000000e+00> : vector<1024xf32>
    %reduce_sum3A_898 = vector.multi_reduction <add>, %slice3A_896, %reduce_sum3A_897 [0] : vector<64x1024xf32> to vector<1024xf32>
    %broadcast_in_dim3A_899 = vector.shape_cast %reduce_sum3A_898 : vector<1024xf32> to vector<1x1024xf32>
    %slice3A_900 = vector.extract_strided_slice %mul3A {offsets = [1408, 0], sizes = [64, 1024], strides = [1, 1]} : vector<2048x1024xf32> to vector<64x1024xf32>
    %reduce_sum3A_901 = arith.constant dense<0.000000e+00> : vector<1024xf32>
    %reduce_sum3A_902 = vector.multi_reduction <add>, %slice3A_900, %reduce_sum3A_901 [0] : vector<64x1024xf32> to vector<1024xf32>
    %broadcast_in_dim3A_903 = vector.shape_cast %reduce_sum3A_902 : vector<1024xf32> to vector<1x1024xf32>
    %jit3A_904 = arith.constant 32 : i32
    %eq3A_905 = arith.constant 0 : i32
    %eq3A_906 = arith.cmpi eq, %jit3A_904, %eq3A_905 : i32
    %jit3A_907 = arith.constant 1 : i32
    %select_n3A_908 = arith.select %eq3A_906, %jit3A_907, %jit3A_904 : i32
    %rem3A_909 = arith.remsi %add3A_895, %select_n3A_908 : i32
    %ne3A_910 = arith.constant 0 : i32
    %ne3A_911 = arith.cmpi ne, %rem3A_909, %ne3A_910 : i32
    %lt3A_912 = arith.constant 0 : i32
    %lt3A_913 = arith.cmpi slt, %rem3A_909, %lt3A_912 : i32
    %lt3A_914 = arith.constant 0 : i32
    %lt3A_915 = arith.cmpi slt, %select_n3A_908, %lt3A_914 : i32
    %ne3A_916 = arith.xori %lt3A_913, %lt3A_915 : i1
    %and3A_917 = arith.andi %ne3A_916, %ne3A_911 : i1
    %add3A_918 = arith.addi %rem3A_909, %select_n3A_908 : i32
    %select_n3A_919 = arith.select %and3A_917, %add3A_918, %rem3A_909 : i32
    %eq3A_920 = arith.constant 31 : i32
    %eq3A_921 = arith.cmpi eq, %select_n3A_919, %eq3A_920 : i32
    %jit3A_922 = arith.constant 0.00999999977 : f32
    %jit3A_923 = arith.constant 0.000000e+00 : f32
    %select_n3A_924 = arith.select %eq3A_921, %jit3A_922, %jit3A_923 : f32
    %slice3A_925 = vector.extract_strided_slice %get3A_1 {offsets = [1471, 0], sizes = [1, 1024], strides = [1, 1]} : vector<2048x1024xf32> to vector<1x1024xf32>
    %mul3A_926 = vector.broadcast %select_n3A_924 : f32 to vector<1x1024xf32>
    %mul3A_927 = arith.mulf %mul3A_926, %slice3A_925 : vector<1x1024xf32>
    %sub3A_928 = arith.subf %broadcast_in_dim3A_899, %mul3A_927 : vector<1x1024xf32>
    %mul3A_929 = arith.mulf %slice3A_925, %slice3A_925 : vector<1x1024xf32>
    %mul3A_930 = vector.broadcast %select_n3A_924 : f32 to vector<1x1024xf32>
    %mul3A_931 = arith.mulf %mul3A_930, %mul3A_929 : vector<1x1024xf32>
    %sub3A_932 = arith.subf %broadcast_in_dim3A_903, %mul3A_931 : vector<1x1024xf32>
    %mul3A_933 = arith.constant 32 : i32
    %mul3A_934 = arith.muli %arg0, %mul3A_933 : i32
    %add3A_935 = arith.constant 23 : i32
    %add3A_936 = arith.addi %mul3A_934, %add3A_935 : i32
    %slice3A_937 = vector.extract_strided_slice %get3A_1 {offsets = [1472, 0], sizes = [64, 1024], strides = [1, 1]} : vector<2048x1024xf32> to vector<64x1024xf32>
    %reduce_sum3A_938 = arith.constant dense<0.000000e+00> : vector<1024xf32>
    %reduce_sum3A_939 = vector.multi_reduction <add>, %slice3A_937, %reduce_sum3A_938 [0] : vector<64x1024xf32> to vector<1024xf32>
    %broadcast_in_dim3A_940 = vector.shape_cast %reduce_sum3A_939 : vector<1024xf32> to vector<1x1024xf32>
    %slice3A_941 = vector.extract_strided_slice %mul3A {offsets = [1472, 0], sizes = [64, 1024], strides = [1, 1]} : vector<2048x1024xf32> to vector<64x1024xf32>
    %reduce_sum3A_942 = arith.constant dense<0.000000e+00> : vector<1024xf32>
    %reduce_sum3A_943 = vector.multi_reduction <add>, %slice3A_941, %reduce_sum3A_942 [0] : vector<64x1024xf32> to vector<1024xf32>
    %broadcast_in_dim3A_944 = vector.shape_cast %reduce_sum3A_943 : vector<1024xf32> to vector<1x1024xf32>
    %jit3A_945 = arith.constant 32 : i32
    %eq3A_946 = arith.constant 0 : i32
    %eq3A_947 = arith.cmpi eq, %jit3A_945, %eq3A_946 : i32
    %jit3A_948 = arith.constant 1 : i32
    %select_n3A_949 = arith.select %eq3A_947, %jit3A_948, %jit3A_945 : i32
    %rem3A_950 = arith.remsi %add3A_936, %select_n3A_949 : i32
    %ne3A_951 = arith.constant 0 : i32
    %ne3A_952 = arith.cmpi ne, %rem3A_950, %ne3A_951 : i32
    %lt3A_953 = arith.constant 0 : i32
    %lt3A_954 = arith.cmpi slt, %rem3A_950, %lt3A_953 : i32
    %lt3A_955 = arith.constant 0 : i32
    %lt3A_956 = arith.cmpi slt, %select_n3A_949, %lt3A_955 : i32
    %ne3A_957 = arith.xori %lt3A_954, %lt3A_956 : i1
    %and3A_958 = arith.andi %ne3A_957, %ne3A_952 : i1
    %add3A_959 = arith.addi %rem3A_950, %select_n3A_949 : i32
    %select_n3A_960 = arith.select %and3A_958, %add3A_959, %rem3A_950 : i32
    %eq3A_961 = arith.constant 31 : i32
    %eq3A_962 = arith.cmpi eq, %select_n3A_960, %eq3A_961 : i32
    %jit3A_963 = arith.constant 0.00999999977 : f32
    %jit3A_964 = arith.constant 0.000000e+00 : f32
    %select_n3A_965 = arith.select %eq3A_962, %jit3A_963, %jit3A_964 : f32
    %slice3A_966 = vector.extract_strided_slice %get3A_1 {offsets = [1535, 0], sizes = [1, 1024], strides = [1, 1]} : vector<2048x1024xf32> to vector<1x1024xf32>
    %mul3A_967 = vector.broadcast %select_n3A_965 : f32 to vector<1x1024xf32>
    %mul3A_968 = arith.mulf %mul3A_967, %slice3A_966 : vector<1x1024xf32>
    %sub3A_969 = arith.subf %broadcast_in_dim3A_940, %mul3A_968 : vector<1x1024xf32>
    %mul3A_970 = arith.mulf %slice3A_966, %slice3A_966 : vector<1x1024xf32>
    %mul3A_971 = vector.broadcast %select_n3A_965 : f32 to vector<1x1024xf32>
    %mul3A_972 = arith.mulf %mul3A_971, %mul3A_970 : vector<1x1024xf32>
    %sub3A_973 = arith.subf %broadcast_in_dim3A_944, %mul3A_972 : vector<1x1024xf32>
    %mul3A_974 = arith.constant 32 : i32
    %mul3A_975 = arith.muli %arg0, %mul3A_974 : i32
    %add3A_976 = arith.constant 24 : i32
    %add3A_977 = arith.addi %mul3A_975, %add3A_976 : i32
    %slice3A_978 = vector.extract_strided_slice %get3A_1 {offsets = [1536, 0], sizes = [64, 1024], strides = [1, 1]} : vector<2048x1024xf32> to vector<64x1024xf32>
    %reduce_sum3A_979 = arith.constant dense<0.000000e+00> : vector<1024xf32>
    %reduce_sum3A_980 = vector.multi_reduction <add>, %slice3A_978, %reduce_sum3A_979 [0] : vector<64x1024xf32> to vector<1024xf32>
    %broadcast_in_dim3A_981 = vector.shape_cast %reduce_sum3A_980 : vector<1024xf32> to vector<1x1024xf32>
    %slice3A_982 = vector.extract_strided_slice %mul3A {offsets = [1536, 0], sizes = [64, 1024], strides = [1, 1]} : vector<2048x1024xf32> to vector<64x1024xf32>
    %reduce_sum3A_983 = arith.constant dense<0.000000e+00> : vector<1024xf32>
    %reduce_sum3A_984 = vector.multi_reduction <add>, %slice3A_982, %reduce_sum3A_983 [0] : vector<64x1024xf32> to vector<1024xf32>
    %broadcast_in_dim3A_985 = vector.shape_cast %reduce_sum3A_984 : vector<1024xf32> to vector<1x1024xf32>
    %jit3A_986 = arith.constant 32 : i32
    %eq3A_987 = arith.constant 0 : i32
    %eq3A_988 = arith.cmpi eq, %jit3A_986, %eq3A_987 : i32
    %jit3A_989 = arith.constant 1 : i32
    %select_n3A_990 = arith.select %eq3A_988, %jit3A_989, %jit3A_986 : i32
    %rem3A_991 = arith.remsi %add3A_977, %select_n3A_990 : i32
    %ne3A_992 = arith.constant 0 : i32
    %ne3A_993 = arith.cmpi ne, %rem3A_991, %ne3A_992 : i32
    %lt3A_994 = arith.constant 0 : i32
    %lt3A_995 = arith.cmpi slt, %rem3A_991, %lt3A_994 : i32
    %lt3A_996 = arith.constant 0 : i32
    %lt3A_997 = arith.cmpi slt, %select_n3A_990, %lt3A_996 : i32
    %ne3A_998 = arith.xori %lt3A_995, %lt3A_997 : i1
    %and3A_999 = arith.andi %ne3A_998, %ne3A_993 : i1
    %add3A_1000 = arith.addi %rem3A_991, %select_n3A_990 : i32
    %select_n3A_1001 = arith.select %and3A_999, %add3A_1000, %rem3A_991 : i32
    %eq3A_1002 = arith.constant 31 : i32
    %eq3A_1003 = arith.cmpi eq, %select_n3A_1001, %eq3A_1002 : i32
    %jit3A_1004 = arith.constant 0.00999999977 : f32
    %jit3A_1005 = arith.constant 0.000000e+00 : f32
    %select_n3A_1006 = arith.select %eq3A_1003, %jit3A_1004, %jit3A_1005 : f32
    %slice3A_1007 = vector.extract_strided_slice %get3A_1 {offsets = [1599, 0], sizes = [1, 1024], strides = [1, 1]} : vector<2048x1024xf32> to vector<1x1024xf32>
    %mul3A_1008 = vector.broadcast %select_n3A_1006 : f32 to vector<1x1024xf32>
    %mul3A_1009 = arith.mulf %mul3A_1008, %slice3A_1007 : vector<1x1024xf32>
    %sub3A_1010 = arith.subf %broadcast_in_dim3A_981, %mul3A_1009 : vector<1x1024xf32>
    %mul3A_1011 = arith.mulf %slice3A_1007, %slice3A_1007 : vector<1x1024xf32>
    %mul3A_1012 = vector.broadcast %select_n3A_1006 : f32 to vector<1x1024xf32>
    %mul3A_1013 = arith.mulf %mul3A_1012, %mul3A_1011 : vector<1x1024xf32>
    %sub3A_1014 = arith.subf %broadcast_in_dim3A_985, %mul3A_1013 : vector<1x1024xf32>
    %mul3A_1015 = arith.constant 32 : i32
    %mul3A_1016 = arith.muli %arg0, %mul3A_1015 : i32
    %add3A_1017 = arith.constant 25 : i32
    %add3A_1018 = arith.addi %mul3A_1016, %add3A_1017 : i32
    %slice3A_1019 = vector.extract_strided_slice %get3A_1 {offsets = [1600, 0], sizes = [64, 1024], strides = [1, 1]} : vector<2048x1024xf32> to vector<64x1024xf32>
    %reduce_sum3A_1020 = arith.constant dense<0.000000e+00> : vector<1024xf32>
    %reduce_sum3A_1021 = vector.multi_reduction <add>, %slice3A_1019, %reduce_sum3A_1020 [0] : vector<64x1024xf32> to vector<1024xf32>
    %broadcast_in_dim3A_1022 = vector.shape_cast %reduce_sum3A_1021 : vector<1024xf32> to vector<1x1024xf32>
    %slice3A_1023 = vector.extract_strided_slice %mul3A {offsets = [1600, 0], sizes = [64, 1024], strides = [1, 1]} : vector<2048x1024xf32> to vector<64x1024xf32>
    %reduce_sum3A_1024 = arith.constant dense<0.000000e+00> : vector<1024xf32>
    %reduce_sum3A_1025 = vector.multi_reduction <add>, %slice3A_1023, %reduce_sum3A_1024 [0] : vector<64x1024xf32> to vector<1024xf32>
    %broadcast_in_dim3A_1026 = vector.shape_cast %reduce_sum3A_1025 : vector<1024xf32> to vector<1x1024xf32>
    %jit3A_1027 = arith.constant 32 : i32
    %eq3A_1028 = arith.constant 0 : i32
    %eq3A_1029 = arith.cmpi eq, %jit3A_1027, %eq3A_1028 : i32
    %jit3A_1030 = arith.constant 1 : i32
    %select_n3A_1031 = arith.select %eq3A_1029, %jit3A_1030, %jit3A_1027 : i32
    %rem3A_1032 = arith.remsi %add3A_1018, %select_n3A_1031 : i32
    %ne3A_1033 = arith.constant 0 : i32
    %ne3A_1034 = arith.cmpi ne, %rem3A_1032, %ne3A_1033 : i32
    %lt3A_1035 = arith.constant 0 : i32
    %lt3A_1036 = arith.cmpi slt, %rem3A_1032, %lt3A_1035 : i32
    %lt3A_1037 = arith.constant 0 : i32
    %lt3A_1038 = arith.cmpi slt, %select_n3A_1031, %lt3A_1037 : i32
    %ne3A_1039 = arith.xori %lt3A_1036, %lt3A_1038 : i1
    %and3A_1040 = arith.andi %ne3A_1039, %ne3A_1034 : i1
    %add3A_1041 = arith.addi %rem3A_1032, %select_n3A_1031 : i32
    %select_n3A_1042 = arith.select %and3A_1040, %add3A_1041, %rem3A_1032 : i32
    %eq3A_1043 = arith.constant 31 : i32
    %eq3A_1044 = arith.cmpi eq, %select_n3A_1042, %eq3A_1043 : i32
    %jit3A_1045 = arith.constant 0.00999999977 : f32
    %jit3A_1046 = arith.constant 0.000000e+00 : f32
    %select_n3A_1047 = arith.select %eq3A_1044, %jit3A_1045, %jit3A_1046 : f32
    %slice3A_1048 = vector.extract_strided_slice %get3A_1 {offsets = [1663, 0], sizes = [1, 1024], strides = [1, 1]} : vector<2048x1024xf32> to vector<1x1024xf32>
    %mul3A_1049 = vector.broadcast %select_n3A_1047 : f32 to vector<1x1024xf32>
    %mul3A_1050 = arith.mulf %mul3A_1049, %slice3A_1048 : vector<1x1024xf32>
    %sub3A_1051 = arith.subf %broadcast_in_dim3A_1022, %mul3A_1050 : vector<1x1024xf32>
    %mul3A_1052 = arith.mulf %slice3A_1048, %slice3A_1048 : vector<1x1024xf32>
    %mul3A_1053 = vector.broadcast %select_n3A_1047 : f32 to vector<1x1024xf32>
    %mul3A_1054 = arith.mulf %mul3A_1053, %mul3A_1052 : vector<1x1024xf32>
    %sub3A_1055 = arith.subf %broadcast_in_dim3A_1026, %mul3A_1054 : vector<1x1024xf32>
    %mul3A_1056 = arith.constant 32 : i32
    %mul3A_1057 = arith.muli %arg0, %mul3A_1056 : i32
    %add3A_1058 = arith.constant 26 : i32
    %add3A_1059 = arith.addi %mul3A_1057, %add3A_1058 : i32
    %slice3A_1060 = vector.extract_strided_slice %get3A_1 {offsets = [1664, 0], sizes = [64, 1024], strides = [1, 1]} : vector<2048x1024xf32> to vector<64x1024xf32>
    %reduce_sum3A_1061 = arith.constant dense<0.000000e+00> : vector<1024xf32>
    %reduce_sum3A_1062 = vector.multi_reduction <add>, %slice3A_1060, %reduce_sum3A_1061 [0] : vector<64x1024xf32> to vector<1024xf32>
    %broadcast_in_dim3A_1063 = vector.shape_cast %reduce_sum3A_1062 : vector<1024xf32> to vector<1x1024xf32>
    %slice3A_1064 = vector.extract_strided_slice %mul3A {offsets = [1664, 0], sizes = [64, 1024], strides = [1, 1]} : vector<2048x1024xf32> to vector<64x1024xf32>
    %reduce_sum3A_1065 = arith.constant dense<0.000000e+00> : vector<1024xf32>
    %reduce_sum3A_1066 = vector.multi_reduction <add>, %slice3A_1064, %reduce_sum3A_1065 [0] : vector<64x1024xf32> to vector<1024xf32>
    %broadcast_in_dim3A_1067 = vector.shape_cast %reduce_sum3A_1066 : vector<1024xf32> to vector<1x1024xf32>
    %jit3A_1068 = arith.constant 32 : i32
    %eq3A_1069 = arith.constant 0 : i32
    %eq3A_1070 = arith.cmpi eq, %jit3A_1068, %eq3A_1069 : i32
    %jit3A_1071 = arith.constant 1 : i32
    %select_n3A_1072 = arith.select %eq3A_1070, %jit3A_1071, %jit3A_1068 : i32
    %rem3A_1073 = arith.remsi %add3A_1059, %select_n3A_1072 : i32
    %ne3A_1074 = arith.constant 0 : i32
    %ne3A_1075 = arith.cmpi ne, %rem3A_1073, %ne3A_1074 : i32
    %lt3A_1076 = arith.constant 0 : i32
    %lt3A_1077 = arith.cmpi slt, %rem3A_1073, %lt3A_1076 : i32
    %lt3A_1078 = arith.constant 0 : i32
    %lt3A_1079 = arith.cmpi slt, %select_n3A_1072, %lt3A_1078 : i32
    %ne3A_1080 = arith.xori %lt3A_1077, %lt3A_1079 : i1
    %and3A_1081 = arith.andi %ne3A_1080, %ne3A_1075 : i1
    %add3A_1082 = arith.addi %rem3A_1073, %select_n3A_1072 : i32
    %select_n3A_1083 = arith.select %and3A_1081, %add3A_1082, %rem3A_1073 : i32
    %eq3A_1084 = arith.constant 31 : i32
    %eq3A_1085 = arith.cmpi eq, %select_n3A_1083, %eq3A_1084 : i32
    %jit3A_1086 = arith.constant 0.00999999977 : f32
    %jit3A_1087 = arith.constant 0.000000e+00 : f32
    %select_n3A_1088 = arith.select %eq3A_1085, %jit3A_1086, %jit3A_1087 : f32
    %slice3A_1089 = vector.extract_strided_slice %get3A_1 {offsets = [1727, 0], sizes = [1, 1024], strides = [1, 1]} : vector<2048x1024xf32> to vector<1x1024xf32>
    %mul3A_1090 = vector.broadcast %select_n3A_1088 : f32 to vector<1x1024xf32>
    %mul3A_1091 = arith.mulf %mul3A_1090, %slice3A_1089 : vector<1x1024xf32>
    %sub3A_1092 = arith.subf %broadcast_in_dim3A_1063, %mul3A_1091 : vector<1x1024xf32>
    %mul3A_1093 = arith.mulf %slice3A_1089, %slice3A_1089 : vector<1x1024xf32>
    %mul3A_1094 = vector.broadcast %select_n3A_1088 : f32 to vector<1x1024xf32>
    %mul3A_1095 = arith.mulf %mul3A_1094, %mul3A_1093 : vector<1x1024xf32>
    %sub3A_1096 = arith.subf %broadcast_in_dim3A_1067, %mul3A_1095 : vector<1x1024xf32>
    %mul3A_1097 = arith.constant 32 : i32
    %mul3A_1098 = arith.muli %arg0, %mul3A_1097 : i32
    %add3A_1099 = arith.constant 27 : i32
    %add3A_1100 = arith.addi %mul3A_1098, %add3A_1099 : i32
    %slice3A_1101 = vector.extract_strided_slice %get3A_1 {offsets = [1728, 0], sizes = [64, 1024], strides = [1, 1]} : vector<2048x1024xf32> to vector<64x1024xf32>
    %reduce_sum3A_1102 = arith.constant dense<0.000000e+00> : vector<1024xf32>
    %reduce_sum3A_1103 = vector.multi_reduction <add>, %slice3A_1101, %reduce_sum3A_1102 [0] : vector<64x1024xf32> to vector<1024xf32>
    %broadcast_in_dim3A_1104 = vector.shape_cast %reduce_sum3A_1103 : vector<1024xf32> to vector<1x1024xf32>
    %slice3A_1105 = vector.extract_strided_slice %mul3A {offsets = [1728, 0], sizes = [64, 1024], strides = [1, 1]} : vector<2048x1024xf32> to vector<64x1024xf32>
    %reduce_sum3A_1106 = arith.constant dense<0.000000e+00> : vector<1024xf32>
    %reduce_sum3A_1107 = vector.multi_reduction <add>, %slice3A_1105, %reduce_sum3A_1106 [0] : vector<64x1024xf32> to vector<1024xf32>
    %broadcast_in_dim3A_1108 = vector.shape_cast %reduce_sum3A_1107 : vector<1024xf32> to vector<1x1024xf32>
    %jit3A_1109 = arith.constant 32 : i32
    %eq3A_1110 = arith.constant 0 : i32
    %eq3A_1111 = arith.cmpi eq, %jit3A_1109, %eq3A_1110 : i32
    %jit3A_1112 = arith.constant 1 : i32
    %select_n3A_1113 = arith.select %eq3A_1111, %jit3A_1112, %jit3A_1109 : i32
    %rem3A_1114 = arith.remsi %add3A_1100, %select_n3A_1113 : i32
    %ne3A_1115 = arith.constant 0 : i32
    %ne3A_1116 = arith.cmpi ne, %rem3A_1114, %ne3A_1115 : i32
    %lt3A_1117 = arith.constant 0 : i32
    %lt3A_1118 = arith.cmpi slt, %rem3A_1114, %lt3A_1117 : i32
    %lt3A_1119 = arith.constant 0 : i32
    %lt3A_1120 = arith.cmpi slt, %select_n3A_1113, %lt3A_1119 : i32
    %ne3A_1121 = arith.xori %lt3A_1118, %lt3A_1120 : i1
    %and3A_1122 = arith.andi %ne3A_1121, %ne3A_1116 : i1
    %add3A_1123 = arith.addi %rem3A_1114, %select_n3A_1113 : i32
    %select_n3A_1124 = arith.select %and3A_1122, %add3A_1123, %rem3A_1114 : i32
    %eq3A_1125 = arith.constant 31 : i32
    %eq3A_1126 = arith.cmpi eq, %select_n3A_1124, %eq3A_1125 : i32
    %jit3A_1127 = arith.constant 0.00999999977 : f32
    %jit3A_1128 = arith.constant 0.000000e+00 : f32
    %select_n3A_1129 = arith.select %eq3A_1126, %jit3A_1127, %jit3A_1128 : f32
    %slice3A_1130 = vector.extract_strided_slice %get3A_1 {offsets = [1791, 0], sizes = [1, 1024], strides = [1, 1]} : vector<2048x1024xf32> to vector<1x1024xf32>
    %mul3A_1131 = vector.broadcast %select_n3A_1129 : f32 to vector<1x1024xf32>
    %mul3A_1132 = arith.mulf %mul3A_1131, %slice3A_1130 : vector<1x1024xf32>
    %sub3A_1133 = arith.subf %broadcast_in_dim3A_1104, %mul3A_1132 : vector<1x1024xf32>
    %mul3A_1134 = arith.mulf %slice3A_1130, %slice3A_1130 : vector<1x1024xf32>
    %mul3A_1135 = vector.broadcast %select_n3A_1129 : f32 to vector<1x1024xf32>
    %mul3A_1136 = arith.mulf %mul3A_1135, %mul3A_1134 : vector<1x1024xf32>
    %sub3A_1137 = arith.subf %broadcast_in_dim3A_1108, %mul3A_1136 : vector<1x1024xf32>
    %mul3A_1138 = arith.constant 32 : i32
    %mul3A_1139 = arith.muli %arg0, %mul3A_1138 : i32
    %add3A_1140 = arith.constant 28 : i32
    %add3A_1141 = arith.addi %mul3A_1139, %add3A_1140 : i32
    %slice3A_1142 = vector.extract_strided_slice %get3A_1 {offsets = [1792, 0], sizes = [64, 1024], strides = [1, 1]} : vector<2048x1024xf32> to vector<64x1024xf32>
    %reduce_sum3A_1143 = arith.constant dense<0.000000e+00> : vector<1024xf32>
    %reduce_sum3A_1144 = vector.multi_reduction <add>, %slice3A_1142, %reduce_sum3A_1143 [0] : vector<64x1024xf32> to vector<1024xf32>
    %broadcast_in_dim3A_1145 = vector.shape_cast %reduce_sum3A_1144 : vector<1024xf32> to vector<1x1024xf32>
    %slice3A_1146 = vector.extract_strided_slice %mul3A {offsets = [1792, 0], sizes = [64, 1024], strides = [1, 1]} : vector<2048x1024xf32> to vector<64x1024xf32>
    %reduce_sum3A_1147 = arith.constant dense<0.000000e+00> : vector<1024xf32>
    %reduce_sum3A_1148 = vector.multi_reduction <add>, %slice3A_1146, %reduce_sum3A_1147 [0] : vector<64x1024xf32> to vector<1024xf32>
    %broadcast_in_dim3A_1149 = vector.shape_cast %reduce_sum3A_1148 : vector<1024xf32> to vector<1x1024xf32>
    %jit3A_1150 = arith.constant 32 : i32
    %eq3A_1151 = arith.constant 0 : i32
    %eq3A_1152 = arith.cmpi eq, %jit3A_1150, %eq3A_1151 : i32
    %jit3A_1153 = arith.constant 1 : i32
    %select_n3A_1154 = arith.select %eq3A_1152, %jit3A_1153, %jit3A_1150 : i32
    %rem3A_1155 = arith.remsi %add3A_1141, %select_n3A_1154 : i32
    %ne3A_1156 = arith.constant 0 : i32
    %ne3A_1157 = arith.cmpi ne, %rem3A_1155, %ne3A_1156 : i32
    %lt3A_1158 = arith.constant 0 : i32
    %lt3A_1159 = arith.cmpi slt, %rem3A_1155, %lt3A_1158 : i32
    %lt3A_1160 = arith.constant 0 : i32
    %lt3A_1161 = arith.cmpi slt, %select_n3A_1154, %lt3A_1160 : i32
    %ne3A_1162 = arith.xori %lt3A_1159, %lt3A_1161 : i1
    %and3A_1163 = arith.andi %ne3A_1162, %ne3A_1157 : i1
    %add3A_1164 = arith.addi %rem3A_1155, %select_n3A_1154 : i32
    %select_n3A_1165 = arith.select %and3A_1163, %add3A_1164, %rem3A_1155 : i32
    %eq3A_1166 = arith.constant 31 : i32
    %eq3A_1167 = arith.cmpi eq, %select_n3A_1165, %eq3A_1166 : i32
    %jit3A_1168 = arith.constant 0.00999999977 : f32
    %jit3A_1169 = arith.constant 0.000000e+00 : f32
    %select_n3A_1170 = arith.select %eq3A_1167, %jit3A_1168, %jit3A_1169 : f32
    %slice3A_1171 = vector.extract_strided_slice %get3A_1 {offsets = [1855, 0], sizes = [1, 1024], strides = [1, 1]} : vector<2048x1024xf32> to vector<1x1024xf32>
    %mul3A_1172 = vector.broadcast %select_n3A_1170 : f32 to vector<1x1024xf32>
    %mul3A_1173 = arith.mulf %mul3A_1172, %slice3A_1171 : vector<1x1024xf32>
    %sub3A_1174 = arith.subf %broadcast_in_dim3A_1145, %mul3A_1173 : vector<1x1024xf32>
    %mul3A_1175 = arith.mulf %slice3A_1171, %slice3A_1171 : vector<1x1024xf32>
    %mul3A_1176 = vector.broadcast %select_n3A_1170 : f32 to vector<1x1024xf32>
    %mul3A_1177 = arith.mulf %mul3A_1176, %mul3A_1175 : vector<1x1024xf32>
    %sub3A_1178 = arith.subf %broadcast_in_dim3A_1149, %mul3A_1177 : vector<1x1024xf32>
    %mul3A_1179 = arith.constant 32 : i32
    %mul3A_1180 = arith.muli %arg0, %mul3A_1179 : i32
    %add3A_1181 = arith.constant 29 : i32
    %add3A_1182 = arith.addi %mul3A_1180, %add3A_1181 : i32
    %slice3A_1183 = vector.extract_strided_slice %get3A_1 {offsets = [1856, 0], sizes = [64, 1024], strides = [1, 1]} : vector<2048x1024xf32> to vector<64x1024xf32>
    %reduce_sum3A_1184 = arith.constant dense<0.000000e+00> : vector<1024xf32>
    %reduce_sum3A_1185 = vector.multi_reduction <add>, %slice3A_1183, %reduce_sum3A_1184 [0] : vector<64x1024xf32> to vector<1024xf32>
    %broadcast_in_dim3A_1186 = vector.shape_cast %reduce_sum3A_1185 : vector<1024xf32> to vector<1x1024xf32>
    %slice3A_1187 = vector.extract_strided_slice %mul3A {offsets = [1856, 0], sizes = [64, 1024], strides = [1, 1]} : vector<2048x1024xf32> to vector<64x1024xf32>
    %reduce_sum3A_1188 = arith.constant dense<0.000000e+00> : vector<1024xf32>
    %reduce_sum3A_1189 = vector.multi_reduction <add>, %slice3A_1187, %reduce_sum3A_1188 [0] : vector<64x1024xf32> to vector<1024xf32>
    %broadcast_in_dim3A_1190 = vector.shape_cast %reduce_sum3A_1189 : vector<1024xf32> to vector<1x1024xf32>
    %jit3A_1191 = arith.constant 32 : i32
    %eq3A_1192 = arith.constant 0 : i32
    %eq3A_1193 = arith.cmpi eq, %jit3A_1191, %eq3A_1192 : i32
    %jit3A_1194 = arith.constant 1 : i32
    %select_n3A_1195 = arith.select %eq3A_1193, %jit3A_1194, %jit3A_1191 : i32
    %rem3A_1196 = arith.remsi %add3A_1182, %select_n3A_1195 : i32
    %ne3A_1197 = arith.constant 0 : i32
    %ne3A_1198 = arith.cmpi ne, %rem3A_1196, %ne3A_1197 : i32
    %lt3A_1199 = arith.constant 0 : i32
    %lt3A_1200 = arith.cmpi slt, %rem3A_1196, %lt3A_1199 : i32
    %lt3A_1201 = arith.constant 0 : i32
    %lt3A_1202 = arith.cmpi slt, %select_n3A_1195, %lt3A_1201 : i32
    %ne3A_1203 = arith.xori %lt3A_1200, %lt3A_1202 : i1
    %and3A_1204 = arith.andi %ne3A_1203, %ne3A_1198 : i1
    %add3A_1205 = arith.addi %rem3A_1196, %select_n3A_1195 : i32
    %select_n3A_1206 = arith.select %and3A_1204, %add3A_1205, %rem3A_1196 : i32
    %eq3A_1207 = arith.constant 31 : i32
    %eq3A_1208 = arith.cmpi eq, %select_n3A_1206, %eq3A_1207 : i32
    %jit3A_1209 = arith.constant 0.00999999977 : f32
    %jit3A_1210 = arith.constant 0.000000e+00 : f32
    %select_n3A_1211 = arith.select %eq3A_1208, %jit3A_1209, %jit3A_1210 : f32
    %slice3A_1212 = vector.extract_strided_slice %get3A_1 {offsets = [1919, 0], sizes = [1, 1024], strides = [1, 1]} : vector<2048x1024xf32> to vector<1x1024xf32>
    %mul3A_1213 = vector.broadcast %select_n3A_1211 : f32 to vector<1x1024xf32>
    %mul3A_1214 = arith.mulf %mul3A_1213, %slice3A_1212 : vector<1x1024xf32>
    %sub3A_1215 = arith.subf %broadcast_in_dim3A_1186, %mul3A_1214 : vector<1x1024xf32>
    %mul3A_1216 = arith.mulf %slice3A_1212, %slice3A_1212 : vector<1x1024xf32>
    %mul3A_1217 = vector.broadcast %select_n3A_1211 : f32 to vector<1x1024xf32>
    %mul3A_1218 = arith.mulf %mul3A_1217, %mul3A_1216 : vector<1x1024xf32>
    %sub3A_1219 = arith.subf %broadcast_in_dim3A_1190, %mul3A_1218 : vector<1x1024xf32>
    %mul3A_1220 = arith.constant 32 : i32
    %mul3A_1221 = arith.muli %arg0, %mul3A_1220 : i32
    %add3A_1222 = arith.constant 30 : i32
    %add3A_1223 = arith.addi %mul3A_1221, %add3A_1222 : i32
    %slice3A_1224 = vector.extract_strided_slice %get3A_1 {offsets = [1920, 0], sizes = [64, 1024], strides = [1, 1]} : vector<2048x1024xf32> to vector<64x1024xf32>
    %reduce_sum3A_1225 = arith.constant dense<0.000000e+00> : vector<1024xf32>
    %reduce_sum3A_1226 = vector.multi_reduction <add>, %slice3A_1224, %reduce_sum3A_1225 [0] : vector<64x1024xf32> to vector<1024xf32>
    %broadcast_in_dim3A_1227 = vector.shape_cast %reduce_sum3A_1226 : vector<1024xf32> to vector<1x1024xf32>
    %slice3A_1228 = vector.extract_strided_slice %mul3A {offsets = [1920, 0], sizes = [64, 1024], strides = [1, 1]} : vector<2048x1024xf32> to vector<64x1024xf32>
    %reduce_sum3A_1229 = arith.constant dense<0.000000e+00> : vector<1024xf32>
    %reduce_sum3A_1230 = vector.multi_reduction <add>, %slice3A_1228, %reduce_sum3A_1229 [0] : vector<64x1024xf32> to vector<1024xf32>
    %broadcast_in_dim3A_1231 = vector.shape_cast %reduce_sum3A_1230 : vector<1024xf32> to vector<1x1024xf32>
    %jit3A_1232 = arith.constant 32 : i32
    %eq3A_1233 = arith.constant 0 : i32
    %eq3A_1234 = arith.cmpi eq, %jit3A_1232, %eq3A_1233 : i32
    %jit3A_1235 = arith.constant 1 : i32
    %select_n3A_1236 = arith.select %eq3A_1234, %jit3A_1235, %jit3A_1232 : i32
    %rem3A_1237 = arith.remsi %add3A_1223, %select_n3A_1236 : i32
    %ne3A_1238 = arith.constant 0 : i32
    %ne3A_1239 = arith.cmpi ne, %rem3A_1237, %ne3A_1238 : i32
    %lt3A_1240 = arith.constant 0 : i32
    %lt3A_1241 = arith.cmpi slt, %rem3A_1237, %lt3A_1240 : i32
    %lt3A_1242 = arith.constant 0 : i32
    %lt3A_1243 = arith.cmpi slt, %select_n3A_1236, %lt3A_1242 : i32
    %ne3A_1244 = arith.xori %lt3A_1241, %lt3A_1243 : i1
    %and3A_1245 = arith.andi %ne3A_1244, %ne3A_1239 : i1
    %add3A_1246 = arith.addi %rem3A_1237, %select_n3A_1236 : i32
    %select_n3A_1247 = arith.select %and3A_1245, %add3A_1246, %rem3A_1237 : i32
    %eq3A_1248 = arith.constant 31 : i32
    %eq3A_1249 = arith.cmpi eq, %select_n3A_1247, %eq3A_1248 : i32
    %jit3A_1250 = arith.constant 0.00999999977 : f32
    %jit3A_1251 = arith.constant 0.000000e+00 : f32
    %select_n3A_1252 = arith.select %eq3A_1249, %jit3A_1250, %jit3A_1251 : f32
    %slice3A_1253 = vector.extract_strided_slice %get3A_1 {offsets = [1983, 0], sizes = [1, 1024], strides = [1, 1]} : vector<2048x1024xf32> to vector<1x1024xf32>
    %mul3A_1254 = vector.broadcast %select_n3A_1252 : f32 to vector<1x1024xf32>
    %mul3A_1255 = arith.mulf %mul3A_1254, %slice3A_1253 : vector<1x1024xf32>
    %sub3A_1256 = arith.subf %broadcast_in_dim3A_1227, %mul3A_1255 : vector<1x1024xf32>
    %mul3A_1257 = arith.mulf %slice3A_1253, %slice3A_1253 : vector<1x1024xf32>
    %mul3A_1258 = vector.broadcast %select_n3A_1252 : f32 to vector<1x1024xf32>
    %mul3A_1259 = arith.mulf %mul3A_1258, %mul3A_1257 : vector<1x1024xf32>
    %sub3A_1260 = arith.subf %broadcast_in_dim3A_1231, %mul3A_1259 : vector<1x1024xf32>
    %mul3A_1261 = arith.constant 32 : i32
    %mul3A_1262 = arith.muli %arg0, %mul3A_1261 : i32
    %add3A_1263 = arith.constant 31 : i32
    %add3A_1264 = arith.addi %mul3A_1262, %add3A_1263 : i32
    %slice3A_1265 = vector.extract_strided_slice %get3A_1 {offsets = [1984, 0], sizes = [64, 1024], strides = [1, 1]} : vector<2048x1024xf32> to vector<64x1024xf32>
    %reduce_sum3A_1266 = arith.constant dense<0.000000e+00> : vector<1024xf32>
    %reduce_sum3A_1267 = vector.multi_reduction <add>, %slice3A_1265, %reduce_sum3A_1266 [0] : vector<64x1024xf32> to vector<1024xf32>
    %broadcast_in_dim3A_1268 = vector.shape_cast %reduce_sum3A_1267 : vector<1024xf32> to vector<1x1024xf32>
    %slice3A_1269 = vector.extract_strided_slice %mul3A {offsets = [1984, 0], sizes = [64, 1024], strides = [1, 1]} : vector<2048x1024xf32> to vector<64x1024xf32>
    %reduce_sum3A_1270 = arith.constant dense<0.000000e+00> : vector<1024xf32>
    %reduce_sum3A_1271 = vector.multi_reduction <add>, %slice3A_1269, %reduce_sum3A_1270 [0] : vector<64x1024xf32> to vector<1024xf32>
    %broadcast_in_dim3A_1272 = vector.shape_cast %reduce_sum3A_1271 : vector<1024xf32> to vector<1x1024xf32>
    %jit3A_1273 = arith.constant 32 : i32
    %eq3A_1274 = arith.constant 0 : i32
    %eq3A_1275 = arith.cmpi eq, %jit3A_1273, %eq3A_1274 : i32
    %jit3A_1276 = arith.constant 1 : i32
    %select_n3A_1277 = arith.select %eq3A_1275, %jit3A_1276, %jit3A_1273 : i32
    %rem3A_1278 = arith.remsi %add3A_1264, %select_n3A_1277 : i32
    %ne3A_1279 = arith.constant 0 : i32
    %ne3A_1280 = arith.cmpi ne, %rem3A_1278, %ne3A_1279 : i32
    %lt3A_1281 = arith.constant 0 : i32
    %lt3A_1282 = arith.cmpi slt, %rem3A_1278, %lt3A_1281 : i32
    %lt3A_1283 = arith.constant 0 : i32
    %lt3A_1284 = arith.cmpi slt, %select_n3A_1277, %lt3A_1283 : i32
    %ne3A_1285 = arith.xori %lt3A_1282, %lt3A_1284 : i1
    %and3A_1286 = arith.andi %ne3A_1285, %ne3A_1280 : i1
    %add3A_1287 = arith.addi %rem3A_1278, %select_n3A_1277 : i32
    %select_n3A_1288 = arith.select %and3A_1286, %add3A_1287, %rem3A_1278 : i32
    %eq3A_1289 = arith.constant 31 : i32
    %eq3A_1290 = arith.cmpi eq, %select_n3A_1288, %eq3A_1289 : i32
    %jit3A_1291 = arith.constant 0.00999999977 : f32
    %jit3A_1292 = arith.constant 0.000000e+00 : f32
    %select_n3A_1293 = arith.select %eq3A_1290, %jit3A_1291, %jit3A_1292 : f32
    %slice3A_1294 = vector.extract_strided_slice %get3A_1 {offsets = [2047, 0], sizes = [1, 1024], strides = [1, 1]} : vector<2048x1024xf32> to vector<1x1024xf32>
    %mul3A_1295 = vector.broadcast %select_n3A_1293 : f32 to vector<1x1024xf32>
    %mul3A_1296 = arith.mulf %mul3A_1295, %slice3A_1294 : vector<1x1024xf32>
    %sub3A_1297 = arith.subf %broadcast_in_dim3A_1268, %mul3A_1296 : vector<1x1024xf32>
    %mul3A_1298 = arith.mulf %slice3A_1294, %slice3A_1294 : vector<1x1024xf32>
    %mul3A_1299 = vector.broadcast %select_n3A_1293 : f32 to vector<1x1024xf32>
    %mul3A_1300 = arith.mulf %mul3A_1299, %mul3A_1298 : vector<1x1024xf32>
    %sub3A_1301 = arith.subf %broadcast_in_dim3A_1272, %mul3A_1300 : vector<1x1024xf32>
    %concatenate3A = tpu.concatenate %sub3A, %sub3A_30, %sub3A_67, %sub3A_71, %sub3A_108, %sub3A_112, %sub3A_149, %sub3A_153, %sub3A_190, %sub3A_194, %sub3A_231, %sub3A_235, %sub3A_272, %sub3A_276, %sub3A_313, %sub3A_317, %sub3A_354, %sub3A_358, %sub3A_395, %sub3A_399, %sub3A_436, %sub3A_440, %sub3A_477, %sub3A_481, %sub3A_518, %sub3A_522, %sub3A_559, %sub3A_563, %sub3A_600, %sub3A_604, %sub3A_641, %sub3A_645, %sub3A_682, %sub3A_686, %sub3A_723, %sub3A_727, %sub3A_764, %sub3A_768, %sub3A_805, %sub3A_809, %sub3A_846, %sub3A_850, %sub3A_887, %sub3A_891, %sub3A_928, %sub3A_932, %sub3A_969, %sub3A_973, %sub3A_1010, %sub3A_1014, %sub3A_1051, %sub3A_1055, %sub3A_1092, %sub3A_1096, %sub3A_1133, %sub3A_1137, %sub3A_1174, %sub3A_1178, %sub3A_1215, %sub3A_1219, %sub3A_1256, %sub3A_1260, %sub3A_1297, %sub3A_1301 in 0 : vector<1x1024xf32>, vector<1x1024xf32>, vector<1x1024xf32>, vector<1x1024xf32>, vector<1x1024xf32>, vector<1x1024xf32>, vector<1x1024xf32>, vector<1x1024xf32>, vector<1x1024xf32>, vector<1x1024xf32>, vector<1x1024xf32>, vector<1x1024xf32>, vector<1x1024xf32>, vector<1x1024xf32>, vector<1x1024xf32>, vector<1x1024xf32>, vector<1x1024xf32>, vector<1x1024xf32>, vector<1x1024xf32>, vector<1x1024xf32>, vector<1x1024xf32>, vector<1x1024xf32>, vector<1x1024xf32>, vector<1x1024xf32>, vector<1x1024xf32>, vector<1x1024xf32>, vector<1x1024xf32>, vector<1x1024xf32>, vector<1x1024xf32>, vector<1x1024xf32>, vector<1x1024xf32>, vector<1x1024xf32>, vector<1x1024xf32>, vector<1x1024xf32>, vector<1x1024xf32>, vector<1x1024xf32>, vector<1x1024xf32>, vector<1x1024xf32>, vector<1x1024xf32>, vector<1x1024xf32>, vector<1x1024xf32>, vector<1x1024xf32>, vector<1x1024xf32>, vector<1x1024xf32>, vector<1x1024xf32>, vector<1x1024xf32>, vector<1x1024xf32>, vector<1x1024xf32>, vector<1x1024xf32>, vector<1x1024xf32>, vector<1x1024xf32>, vector<1x1024xf32>, vector<1x1024xf32>, vector<1x1024xf32>, vector<1x1024xf32>, vector<1x1024xf32>, vector<1x1024xf32>, vector<1x1024xf32>, vector<1x1024xf32>, vector<1x1024xf32>, vector<1x1024xf32>, vector<1x1024xf32>, vector<1x1024xf32>, vector<1x1024xf32> -> vector<64x1024xf32>
    %swap3A = arith.constant 0 : index
    %swap3A_1302 = arith.constant 0 : index
    %swap3A_1303 = vector.load %arg2[%swap3A, %swap3A_1302] : memref<64x1024xf32, #tpu.memory_space<vmem>>, vector<64x1024xf32>
    tpu.vector_store %arg2[%swap3A, %swap3A_1302], %concatenate3A {strides = array<i32>} : memref<64x1024xf32, #tpu.memory_space<vmem>>, vector<64x1024xf32>,
    return
  }
  func.func @transform_0(%arg0: i32) -> (i32, i32) {
    %c0_i32 = arith.constant 0 : i32
    %c0_i32_0 = arith.constant 0 : i32
    return %arg0, %c0_i32 : i32, i32
  }
  func.func @transform_1(%arg0: i32) -> (i32, i32) {
    %c0_i32 = arith.constant 0 : i32
    %c0_i32_0 = arith.constant 0 : i32
    return %arg0, %c0_i32 : i32, i32
  }
}

</mosaic_0001>

<sc_bundles>
// kernel: kernel.4.cloned.1.call-start
scs
__scs_entry_jumppad:
0x0: {  	(pc) =	sbr.rel $0x88, $3  }
0x1: {  	(tag) =	ssettag $0x0;
	lr =	simm.s32 $0x1  }
0x2: {  	[smem:$0x3FA0] =	sst lr;
	_ =	strace $0xD0000000  }
0x3: {  	_ = 	snop  }
0x4: {  	_ = 	snop  }
0x5: {  	_ = 	snop  }
0x6: {  	_ = 	snop  }
0x7: {  	_ = 	snop  }
__scs_overlays_trampoline_lowered:
0x8: {  	[smem:$0x3FAF] =	sst s0  }
0x9: {  	[smem:$0x3FB0] =	sst s1  }
0xa: {  	[smem:$0x3FB1] =	sst s2  }
0xb: {  	[smem:$0x3FB2] =	sst s3  }
0xc: {  	[smem:$0x3FB3] =	sst s4  }
0xd: {  	[smem:$0x3FB4] =	sst s5  }
0xe: {  	[smem:$0x3FB5] =	sst s6  }
0xf: {  	[smem:$0x3FB6] =	sst s7  }
0x10: {  	[smem:$0x3FB7] =	sst s8  }
0x11: {  	[smem:$0x3FB8] =	sst s9;
	s0 =	simm.s32 @!p0 $0x0  }
0x12: {  	s1 =	sld [smem:$0x3F9E];
	s0 =	simm.s32 @p0 $0x1  }
0x13: {  	[smem:$0x3FB9] =	sst s0;
	s0 =	simm.s32 @!p1 $0x0  }
0x14: {  	s2 =	sld [smem:$0x3F9D];
	s0 =	simm.s32 @p1 $0x1  }
0x15: {  	[smem:$0x3FBA] =	sst s0;
	s0 =	simm.s32 @!p2 $0x0  }
0x16: {  	s3 =	sld [smem:$0x3FDB];
	s0 =	simm.s32 @p2 $0x1  }
0x17: {  	s4 =	simm.s32 $0x1BF5;
	[smem:$0x3FBC] =	sst s0  }
0x18: {  	s0 =	sld [smem:$0x3F9F];
	_ =	swait.ge [sflag:s4], $0x0  }
0x19: {  	s7 =	sld [smem:$0x3FA0]  }
0x1a: {  	s8 =	sadd.s32 $0xFFFFE003, lr  }
0x1b: {  	s9 =	sadd.s32 $0xFFFFFEF7, lr;
	s5 =	simm.s32 $0xFFFFFFFF;
	p2 =	slt.u32 s8, $0xFFFFF086  }
0x1c: {  	p1 =	slt.u32 s9, $0xF7A;
	s5 =	simm.s32 @!p2 $0x0  }
0x1d: {  	s5 =	simm.s32 @p1 $0x1;
	p0 =	seq.s32 s7, s2  }
0x1e: {  	s7 =	smul.u32 @!p0 $0xF7A, s2;
	p2 =	seq.s32 @!p0 s5, $0x0  }
0x1f: {  	s9 =	smul.u32 $0xF7A, s1;
	s8 =	simm.s32 @!p0 $0x1BF5;
	p2 =	por !p2, p0  }
0x20: {  	[sflag:s8] =	ssyncset.s32 @!p0 $0xFFFFF086;
	s6 =	sadd.s32 @!p0 s3, s7;
	s7 =	simm.s32 @!p0 $0x108  }
0x21: {  	s3 =	sadd.s32 s3, s9;
	s6 =	sadd.s32 @!p0 $0x88, s6;
	s7 =	simm.s32 @p2 $0x1082  }
0x22: {  	[simem:s7], [sflag:s8] =	dma.local @!p0 [hbm:s6], $0xF7A  }
0x23: {  	s9 =	sor.u32 $0xD0000000, s2;
	s6 =	simm.s32 $0x108;
	_ =	swait.ge @!p0 [sflag:s8], $0x0  }
0x24: {  	s3 =	sadd.s32 $0x88, s3;
	s6 =	simm.s32 @!p1 $0x1082;
	[sflag:s4] =	ssyncset.s32 $0xFFFFF086  }
0x25: {  	[simem:s6], [sflag:s4] =	dma.local [hbm:s3], $0xF7A  }
0x26: {  	[smem:$0x3FA0] =	sst s1;
	(tag) =	ssettag s2;
	_ =	strace s9  }
0x27: {  	s1 =	sld [smem:$0x3FB0]  }
0x28: {  	s2 =	sld [smem:$0x3FB1]  }
0x29: {  	s4 =	sld [smem:$0x3FB3]  }
0x2a: {  	p0 =	seq.s32 s5, $0x0;
	s5 =	sld [smem:$0x3FB4]  }
0x2b: {  	s6 =	sld [smem:$0x3FB5]  }
0x2c: {  	s7 =	sld [smem:$0x3FB6]  }
0x2d: {  	s3 =	simm.s32 $0x108;
	s8 =	sld [smem:$0x3FB7]  }
0x2e: {  	s3 =	simm.s32 @!p0 $0x1082;
	s9 =	sld [smem:$0x3FB8]  }
0x2f: {  	lr =	sadd.s32 s0, s3;
	s0 =	sld [smem:$0x3FAF]  }
0x30: {  	s3 =	sld [smem:$0x3FB2]  }
0x31: {  	[smem:$0x3FBB] =	sst s10  }
0x32: {  	s10 =	sld [smem:$0x3FB9];
	_ =	sdelay $0x3  }
0x33: {  	p0 =	seq.s32 s10, $0x1;
	s10 =	sld [smem:$0x3FBB];
	_ =	sdelay $0x3  }
0x34: {  	[smem:$0x3FBB] =	sst s10  }
0x35: {  	s10 =	sld [smem:$0x3FBA];
	_ =	sdelay $0x3  }
0x36: {  	p1 =	seq.s32 s10, $0x1;
	s10 =	sld [smem:$0x3FBB];
	_ =	sdelay $0x3  }
0x37: {  	[smem:$0x3FBB] =	sst s10  }
0x38: {  	s10 =	sld [smem:$0x3FBC]  }
0x39: {  	_ = 	snop;
	(pc) =	sbr.ind lr, $3  }
0x3a: {  	_ = 	snop  }
0x3b: {  	_ = 	snop  }
0x3c: {  	p2 =	seq.s32 s10, $0x1;
	s10 =	sld [smem:$0x3FBB]  }
0x3d: {  	_ =	shalt  }
0x3e: {  	_ =	shalt  }
0x3f: {  	_ =	shalt  }
0x40: {  	_ =	shalt  }
0x41: {  	_ =	shalt  }
0x42: {  	_ =	shalt  }
0x43: {  	_ =	shalt  }
0x44: {  	_ =	shalt  }
0x45: {  	_ =	shalt  }
0x46: {  	_ =	shalt  }
0x47: {  	_ =	shalt  }
0x48: {  	_ =	shalt  }
0x49: {  	_ =	shalt  }
0x4a: {  	_ =	shalt  }
0x4b: {  	_ =	shalt  }
0x4c: {  	_ =	shalt  }
0x4d: {  	_ =	shalt  }
0x4e: {  	_ =	shalt  }
0x4f: {  	_ =	shalt  }
0x50: {  	_ =	shalt  }
0x51: {  	_ =	shalt  }
0x52: {  	_ =	shalt  }
0x53: {  	_ =	shalt  }
0x54: {  	_ =	shalt  }
0x55: {  	_ =	shalt  }
0x56: {  	_ =	shalt  }
0x57: {  	_ =	shalt  }
0x58: {  	_ =	shalt  }
0x59: {  	_ =	shalt  }
0x5a: {  	_ =	shalt  }
0x5b: {  	_ =	shalt  }
0x5c: {  	_ =	shalt  }
0x5d: {  	_ =	shalt  }
0x5e: {  	_ =	shalt  }
0x5f: {  	_ =	shalt  }
0x60: {  	_ =	shalt  }
0x61: {  	_ =	shalt  }
0x62: {  	_ =	shalt  }
0x63: {  	_ =	shalt  }
0x64: {  	_ =	shalt  }
0x65: {  	_ =	shalt  }
0x66: {  	_ =	shalt  }
0x67: {  	_ =	shalt  }
0x68: {  	_ =	shalt  }
0x69: {  	_ =	shalt  }
0x6a: {  	_ =	shalt  }
0x6b: {  	_ =	shalt  }
0x6c: {  	_ =	shalt  }
0x6d: {  	_ =	shalt  }
0x6e: {  	_ =	shalt  }
0x6f: {  	_ =	shalt  }
0x70: {  	_ =	shalt  }
0x71: {  	_ =	shalt  }
0x72: {  	_ =	shalt  }
0x73: {  	_ =	shalt  }
0x74: {  	_ =	shalt  }
0x75: {  	_ =	shalt  }
0x76: {  	_ =	shalt  }
0x77: {  	_ =	shalt  }
0x78: {  	_ =	shalt  }
0x79: {  	_ =	shalt  }
0x7a: {  	_ =	shalt  }
0x7b: {  	_ =	shalt  }
0x7c: {  	_ =	shalt  }
0x7d: {  	_ =	shalt  }
0x7e: {  	_ =	shalt  }
0x7f: {  	_ =	shalt  }
0x80: {  	_ =	shalt  }
0x81: {  	_ =	shalt  }
0x82: {  	_ =	shalt  }
0x83: {  	_ =	shalt  }
0x84: {  	_ =	shalt  }
0x85: {  	_ =	shalt  }
0x86: {  	_ =	shalt  }
0x87: {  	_ =	shalt  }
.Lfunc_end0:
.L_simem_size_0:
called_computation_lowered:
.L_overlay_start_0:
0x88: {  	s2 =	sld [smem:$0x3FD9]  }
0x89: {  	s3 =	sld [smem:$0x3FFE];
	_ =	sdelay $0x1  }
0x8a: {  	s1 =	srdreg.scid  }
0x8b: {  	s0 =	sand.u32 $0x1, s1  }
0x8c: {  	s17 =	sshll.u32 s0, $0xA;
	s2 =	sadd.s32 s3, s2  }
0x8d: {  	s2 =	sadd.s32 s2, s17  }
0x8e: {  	[smem:$0x3FC7] =	sst s2  }
0x8f: {  	_ = 	snop  }
0x90: {  	s2 =	sld [smem:$0x3FD0];
	(tm) =	ssettm $0x1  }
0x91: {  	s18 =	sld [smem:$0x3FFB];
	_ =	sdelay $0x3  }
0x92: {  	_ =	strace s18  }
0x93: {  	s3 =	sld [smem:$0x3FFC];
	_ =	sdelay $0x3  }
0x94: {  	_ =	strace s3  }
0x95: {  	s3 =	sld [smem:$0x3FFD];
	_ =	sdelay $0x3  }
0x96: {  	_ =	strace s3  }
0x97: {  	_ =	strace $0x8FFFFFFF  }
0x98: {  	s19 =	sld [smem:$0x3FDB];
	_ =	sdelay $0x1  }
0x99: {  	s4 =	simm.s32 $_scs_section_size  }
0x9a: {  	s5 =	simm.s32 $_size__tile_overlayer_lowered;
	s6 =	simm.s32 $_tile_overlayer_lowered  }
0x9b: {  	s22 =	simm.s32 $0x1BFF;
	s21 =	sshll.u32 s6, $0x1;
	s3 =	sadd.s32 s4, s19  }
0x9c: {  	s7 =	simm.s32 $0x0;
	s20 =	sshll.u32 s5, $0x1;
	s5 =	sadd.s32 s21, s3  }
0x9d: {  	[timem:s7], [sflag:s22] =	dma.local [hbm:s5], s20  }
0x9e: {  	_ =	swait.ge [sflag:s22], s20  }
0x9f: {  	s4 =	ssub.s32 $0x0, s20;
	[sflag:s22] =	ssyncset.done $0x0  }
0xa0: {  	[sflag:s22] =	ssyncadd.s32 s4;
	_ =	sdelay $0x1  }
0xa1: {  	s23 =	simm.s32 $0x1B8B  }
0xa2: {  	_ =	swait.ge [sflag:s23], $0x1  }
0xa3: {  	[sflag:s23] =	ssyncset.done $0x0  }
0xa4: {  	s25 =	simm.s32 $0x1B8E;
	s24 =	sld [smem:$0x3FFE];
	[sflag:s23] =	ssyncadd.s32 $0xFFFFFFFF  }
0xa5: {  	s26 =	simm.s32 $execute0_lowered;
	[smem:$0x3FD2] =	sst s25  }
0xa6: {  	s5 =	sshll.u32 s26, $0x1;
	_ =	strace $0x80000046;
	[dreg:$0x1] =	wrdreg $0xFFFFFFFF  }
0xa7: {  	s28 =	simm.s32 $_size_execute0_lowered;
	s3 =	sadd.s32 s3, s5;
	[dreg:$0x0] =	wrdreg $0x0  }
0xa8: {  	s5 =	sshll.u32 s28, $0x1;
	[dreg:$0x2] =	wrdreg s3  }
0xa9: {  	[dreg:$0x3] =	wrdreg s5  }
0xaa: {  	[dreg:$0x4] =	wrdreg $0xC0  }
0xab: {  	_ =	task [dreg:s7], $0x5FFFF  }
0xac: {  	[dreg:$0x1] =	wrdreg $0xFFFFFFFF  }
0xad: {  	[dreg:$0x0] =	wrdreg $0x60  }
0xae: {  	[dreg:$0x2] =	wrdreg s2  }
0xaf: {  	[dreg:$0x3] =	wrdreg s24  }
0xb0: {  	[dreg:$0x4] =	wrdreg $0x9  }
0xb1: {  	_ =	task.clear_ibuf [dreg:s7], $0x5FFFF;
	_ =	strace $0x90000046  }
0xb2: {  	s29 =	simm.s32 $0x9;
	_ =	strace $0x80000048  }
0xb3: {  	_ =	swait.ge [sflag:s29], $0x1  }
0xb4: {  	[sflag:s29] =	ssyncadd.s32 $0xFFFFFFFF  }
0xb5: {  	_ =	strace $0x90000048  }
0xb6: {  	_ =	sfence  }
0xb7: {  	s30 =	sld [smem:$0x0];
	_ =	sdelay $0x2  }
0xb8: {  	s31 =	sshll.u32 s1, $0xD;
	s1 =	sshrl.u32 s1, $0x2  }
0xb9: {  	s3 =	sand.u32 $0x4000, s31;
	s1 =	sadd.s32 s1, s30  }
0xba: {  	s0 =	sor.u32 s3, s0;
	s1 =	sshll.u32 s1, $0x11  }
0xbb: {  	s0 =	sor.u32 s1, s0  }
0xbc: {  	s0 =	sadd.s32 $0x8F2B, s0  }
0xbd: {  	[sflag:s0] =	ssyncadd.remote.s32 $0x1  }
0xbe: {  	_ =	sfence.sel $0xFFFF  }
0xbf: {  	[dreg:$0x0] =	wrdreg $0xFFFFFFFF;
	(pc) =	sbr.abs _section_cstart, $3  }
0xc0: {  	[dreg:$0x1] =	wrdreg $0xFFFFFFFF  }
0xc1: {  	_ =	task.clear_ibuf [dreg:s7], $0x2FFFF;
	_ =	strace $0x9FFFFFFF  }
0xc2: {  	(tm) =	ssettm $0x7FFFFFFF  }
0xc3: {  	_ =	shalt  }
tec
execute0_lowered:
.L_overlay_start_1:
0x0: {  	(tag) =	ssettag $0x1  }
0x1: {  	s3 =	rddreg [dreg:$0x0]  }
0x2: {  	s4 =	rddreg [dreg:$0x1];
	s1 =	srdreg.scid  }
0x3: {  	s0 =	rddreg [dreg:$0x2];
	s2 =	simm.s32 $0x0;
	s16 =	simm.f32 $1.562744190e-02  }
0x4: {  	s17 =	simm.f32 $7.813110020e-03;
	s18 =	simm.f32 $3.906402740e-03;
	s11 =	simm.s32 $0x1  }
0x5: {  	s12 =	simm.s32 $0x2000;
	s13 =	simm.s32 $0x2400;
	s14 =	simm.s32 $0x2800  }
0x6: {  	s15 =	simm.s32 $0x3000;
	s5 =	sand.u32 $0x1, s1;
	[smem:$0x7FF] =	sst s2  }
0x7: {  	s1 =	stileid.u32;
	s6 =	sshll.u32 s5, $0x4;
	_ =	strace $0x80000047  }
0x8: {  	s5 =	ssub.s32 $0x2, s5;
	s30 =	sand.u32 $0x7, s1;
	s6 =	sor.u32 s1, s6  }
0x9: {  	s10 =	sshrl.u32 s5, $0x1;
	p0 =	seq.s32 s30, $0x7;
	s7 =	sshll.u32 s6, $0x7  }
0xa: {  	s8 =	sshll.u32 s6, $0x8;
	s9 =	sshll.u32 s6, $0x9;
	s10 =	ssub.s32 s5, s10  }
0xb: {  	s31 =	sshll.u32 s6, $0xA;
	s16 =	simm.s32 @!p0 $0x3C800000;
	s17 =	simm.s32 @!p0 $0x3C000000  }
0xc: {  	s18 =	simm.s32 @!p0 $0x3B800000;
	s7 =	sadd.s32 s7, s4;
	s8 =	sadd.s32 s8, s4  }
0xd: {  	s9 =	sadd.s32 s9, s4;
	s3 =	sadd.s32 s3, s31;
	s10 =	smax.u32 s10, $0x1  }
0xe: {  	v0 =	vmov s16;
	v1 =	vmov s17;
	v2 =	vmov s18;
	s16 =	simm.s32 $0x3800;
	s17 =	simm.s32 $0x4800;
	s18 =	simm.s32 $0x0  }
0xf: {  	s4 =	sadd.s32 $0xD200, s7;
	s5 =	sadd.s32 $0xE200, s7;
	s6 =	sadd.s32 $0x1200, s8  }
0x10: {  	s7 =	sadd.s32 $0x3200, s8;
	s8 =	sadd.s32 $0x5200, s9;
	s9 =	sadd.s32 $0x9200, s9  }
.LBB2_1:
0x11: {  	[tilespmem:s2], [sflag:$0x1] =	stream.linear.gather [hbm4b:s3+s2], $0x2000, $0x38;
	[tilespmem:$0x5800] =	vst v63  }
0x12: {  	s20 =	simm.s32 $0x0;
	_ =	swait.ge [sflag:s11], $0x2000  }
0x13: {  	s19 =	sand.u32 $0x70, s2;
	s20 =	sand.u32 $0x3FFFFC00, s20;
	[sflag:s11] =	ssyncset.done $0x0  }
0x14: {  	s20 =	sor.u32 s19, s20;
	[sflag:s11] =	ssyncadd.s32 $0xFFFFE000  }
0x15: {  	v6 =	vld [tilespmem:s20+$0x180]  }
0x16: {  	v7 =	vld [tilespmem:s20+$0x0]  }
0x17: {  	v8 =	vld [tilespmem:s20+$0x280]  }
0x18: {  	v3 =	vld [tilespmem:s20+$0x80]  }
0x19: {  	v5 =	vld [tilespmem:s20+$0x200]  }
0x1a: {  	v9 =	vld [tilespmem:s20+$0x300]  }
0x1b: {  	v10 =	vld [tilespmem:s20+$0x100];
	_ =	sdelay $0x1  }
0x1c: {  	v11 =	vld [tilespmem:s20+$0x380]  }
0x1d: {  	v4 =	vmul.f32 $1.562500000e-02, v7;
	v13 =	vmul.f32 $1.562500000e-02, v3  }
0x1e: {  	v18 =	vadd.f32 v6, v3;
	v3 =	vmul.f32 $1.562500000e-02, v5;
	v12 =	vmul.f32 $1.562500000e-02, v8  }
0x1f: {  	v17 =	vadd.f32 v9, v5;
	v5 =	vmul.f32 $1.562500000e-02, v10;
	v20 =	vmul.f32 $1.562500000e-02, v6  }
0x20: {  	v10 =	vadd.f32 v10, v7;
	v14 =	vmul.f32 v4, v4;
	v15 =	vmul.f32 $7.812500000e-03, v18  }
0x21: {  	v16 =	vadd.f32 v11, v8;
	v19 =	vmul.f32 v3, v3;
	v6 =	vmul.f32 v17, v1  }
0x22: {  	s23 =	simm.s32 $0x1;
	v8 =	vmul.f32 v5, v5;
	v7 =	vmul.f32 $7.812500000e-03, v10;
	v21 =	vadd.f32 v17, v10  }
0x23: {  	s24 =	simm.s32 $0x2000;
	s25 =	simm.s32 $0x2400;
	s26 =	simm.s32 $0x0;
	v12 =	vsub.f32 v12, v19;
	v17 =	vmul.f32 v6, v6;
	v19 =	vadd.f32 v16, v18  }
0x24: {  	s22 =	simm.s32 $0x0;
	s21 =	simm.s32 $0x2000;
	s20 =	simm.s32 $0x2400;
	v10 =	vsub.f32 v20, v8;
	v18 =	vmul.f32 v7, v7;
	v8 =	vmul.f32 v21, v2  }
.LBB2_2:
0x25: {  	v9 =	vmul.f32 v9, v0;
	v14 =	vsub.f32 v13, v14;
	v13 =	vmul.f32 v19, v2;
	s24 =	sadd.s32 $0x10, s24;
	s25 =	sadd.s32 $0x10, s25;
	s26 =	sadd.s32 $0x10, s26  }
0x26: {  	p0 =	sne.s32 s23, $0x3F;
	s28 =	smov.u32 s23;
	s23 =	sadd.s32 $0x1, s23;
	v10 =	vmax.f32 v10, $1.000000000e-30;
	v19 =	vmul.f32 v8, v8  }
0x27: {  	v16 =	vmul.f32 v16, v1;
	v20 =	vshra.s32 v10, $0x1;
	v21 =	vmul.f32 $5.000000000e-01, v10  }
0x28: {  	v20 =	vsub.s32 $0x5F3759DF, v20;
	v13 =	vsub.f32 v13, v19  }
0x29: {  	v16 =	vsub.f32 v16, v17;
	v19 =	vmul.f32 v20, v21  }
0x2a: {  	v17 =	vmul.f32 v9, v9;
	v13 =	vmax.f32 v13, $1.000000000e-30  }
0x2b: {  	v15 =	vsub.f32 v15, v18;
	v19 =	vmul.f32 v20, v19;
	v18 =	vshra.s32 v13, $0x1  }
0x2c: {  	v16 =	vmax.f32 v16, $1.000000000e-30;
	v22 =	vmul.f32 $5.000000000e-01, v13  }
0x2d: {  	v23 =	vmul.f32 v11, v0;
	v24 =	vshra.s32 v16, $0x1;
	v19 =	vsub.f32 $1.500000000e+00, v19  }
0x2e: {  	v11 =	vmax.f32 v15, $1.000000000e-30;
	v15 =	vsub.s32 $0x5F3759DF, v24;
	v24 =	vmul.f32 $5.000000000e-01, v16  }
0x2f: {  	v18 =	vsub.s32 $0x5F3759DF, v18;
	v19 =	vmul.f32 v20, v19;
	v20 =	vshra.s32 v11, $0x1  }
0x30: {  	v25 =	vmul.f32 v15, v24;
	v26 =	vmul.f32 v18, v22;
	v20 =	vsub.s32 $0x5F3759DF, v20  }
0x31: {  	v17 =	vsub.f32 v23, v17;
	v23 =	vmul.f32 $5.000000000e-01, v11;
	v27 =	vmul.f32 v19, v21  }
0x32: {  	v25 =	vmul.f32 v15, v25;
	v26 =	vmul.f32 v18, v26  }
0x33: {  	v28 =	vmax.f32 v12, $1.000000000e-30;
	v12 =	vmul.f32 v20, v23;
	v27 =	vmul.f32 v27, v19  }
0x34: {  	v29 =	vmul.f32 $5.000000000e-01, v28;
	v25 =	vsub.f32 $1.500000000e+00, v25;
	v26 =	vsub.f32 $1.500000000e+00, v26  }
0x35: {  	v30 =	vshra.s32 v28, $0x1;
	v31 =	vmul.f32 v20, v12;
	v27 =	vsub.f32 $1.500000000e+00, v27  }
0x36: {  	v30 =	vsub.s32 $0x5F3759DF, v30;
	v12 =	vmax.f32 v17, $1.000000000e-30;
	v15 =	vmul.f32 v15, v25  }
0x37: {  	v25 =	vshra.s32 v12, $0x1;
	v17 =	vmul.f32 v27, v19;
	v19 =	vmul.f32 v30, v29  }
0x38: {  	v25 =	vsub.s32 $0x5F3759DF, v25;
	v32 =	vmul.f32 v15, v24;
	v27 =	vmul.f32 $5.000000000e-01, v12  }
0x39: {  	v18 =	vmul.f32 v18, v26;
	v31 =	vsub.f32 $1.500000000e+00, v31;
	v19 =	vmul.f32 v30, v19  }
0x3a: {  	v26 =	vmul.f32 v32, v15;
	v21 =	vmul.f32 v17, v21  }
0x3b: {  	v33 =	vmul.f32 v18, v22;
	v32 =	vmul.f32 v25, v27;
	v19 =	vsub.f32 $1.500000000e+00, v19  }
0x3c: {  	v20 =	vmul.f32 v20, v31;
	v26 =	vsub.f32 $1.500000000e+00, v26;
	v21 =	vmul.f32 v21, v17  }
0x3d: {  	s29 =	sshll.u32 s28, $0x7;
	v14 =	vmax.f32 v14, $1.000000000e-30;
	v19 =	vmul.f32 v30, v19;
	v30 =	vmul.f32 v33, v18  }
0x3e: {  	s30 =	sand.u32 $0x70, s26;
	s29 =	sand.u32 $0x3FFFFC00, s29;
	v31 =	vshra.s32 v14, $0x1;
	v15 =	vmul.f32 v26, v15;
	v33 =	vmul.f32 v20, v23  }
0x3f: {  	s29 =	sor.u32 s30, s29;
	v32 =	vmul.f32 v25, v32;
	v26 =	vmul.f32 v19, v29;
	v30 =	vsub.f32 $1.500000000e+00, v30  }
0x40: {  	v34 =	vmul.f32 $5.000000000e-01, v14;
	v21 =	vsub.f32 $1.500000000e+00, v21;
	v24 =	vmul.f32 v15, v24  }
0x41: {  	v31 =	vsub.s32 $0x5F3759DF, v31;
	v26 =	vmul.f32 v26, v19;
	v18 =	vmul.f32 v30, v18  }
0x42: {  	v32 =	vsub.f32 $1.500000000e+00, v32;
	v24 =	vmul.f32 v24, v15;
	v30 =	vmul.f32 v31, v34  }
0x43: {  	v33 =	vmul.f32 v33, v20;
	v26 =	vsub.f32 $1.500000000e+00, v26;
	v22 =	vmul.f32 v18, v22  }
0x44: {  	v25 =	vmul.f32 v25, v32;
	v24 =	vsub.f32 $1.500000000e+00, v24;
	v30 =	vmul.f32 v31, v30  }
0x45: {  	v17 =	vmul.f32 v21, v17;
	v21 =	vsub.f32 $1.500000000e+00, v33;
	v19 =	vmul.f32 v26, v19  }
0x46: {  	v15 =	vmul.f32 v24, v15;
	v26 =	vsub.f32 $1.500000000e+00, v30;
	v22 =	vmul.f32 v22, v18  }
0x47: {  	v20 =	vmul.f32 v21, v20;
	v24 =	vmul.f32 v19, v29  }
0x48: {  	v15 =	vmul.f32 v15, v16;
	v21 =	vmul.f32 v31, v26;
	v16 =	vsub.f32 $1.500000000e+00, v22  }
0x49: {  	v22 =	vmul.f32 v24, v19;
	v24 =	vmul.f32 v25, v27  }
0x4a: {  	v23 =	vmul.f32 v20, v23;
	v26 =	vmul.f32 v21, v34  }
0x4b: {  	v16 =	vmul.f32 v16, v18;
	v22 =	vsub.f32 $1.500000000e+00, v22;
	v24 =	vmul.f32 v24, v25  }
0x4c: {  	v23 =	vmul.f32 v23, v20;
	v18 =	vmul.f32 v26, v21  }
0x4d: {  	s31 =	sshrl.u32 s22, $0x3;
	s22 =	smov.u32 s28;
	v13 =	vmul.f32 v16, v13;
	v19 =	vmul.f32 v22, v19;
	v22 =	vsub.f32 $1.500000000e+00, v24  }
0x4e: {  	s28 =	sshll.u32 s31, $0x8;
	v10 =	vmul.f32 v17, v10;
	v17 =	vsub.f32 $1.500000000e+00, v23;
	v16 =	vsub.f32 $1.500000000e+00, v18;
	[tilespmem:s21+$0x0] =	vst v8;
	s21 =	smov.u32 s24  }
0x4f: {  	s28 =	sor.u32 s19, s28;
	v8 =	vmul.f32 v19, v28;
	v18 =	vmul.f32 v22, v25;
	[tilespmem:s20+$0x0] =	vst v13;
	s20 =	smov.u32 s25  }
0x50: {  	v13 =	vmul.f32 v16, v21;
	v16 =	vmul.f32 v17, v20;
	[tilespmem:s28+$0x2800] =	vst v7  }
0x51: {  	v7 =	vmul.f32 v18, v27;
	[tilespmem:s28+$0x2880] =	vst v6  }
0x52: {  	v6 =	vmul.f32 v13, v34;
	v11 =	vmul.f32 v16, v11;
	[tilespmem:s28+$0x3080] =	vst v15  }
0x53: {  	s31 =	sshll.u32 s31, $0x9;
	v7 =	vmul.f32 v7, v18  }
0x54: {  	v6 =	vmul.f32 v6, v13;
	[tilespmem:s28+$0x3000] =	vst v11;
	s28 =	sor.u32 s19, s31;
	s19 =	smov.u32 s30  }
0x55: {  	v7 =	vsub.f32 $1.500000000e+00, v7;
	[tilespmem:s28+$0x3800] =	vst v4  }
0x56: {  	v4 =	vsub.f32 $1.500000000e+00, v6;
	[tilespmem:s28+$0x3880] =	vst v5  }
0x57: {  	v5 =	vmul.f32 v7, v18;
	[tilespmem:s28+$0x4880] =	vst v10  }
0x58: {  	v4 =	vmul.f32 v4, v13;
	[tilespmem:s28+$0x3900] =	vst v3  }
0x59: {  	v3 =	vmul.f32 v5, v12;
	[tilespmem:s28+$0x4900] =	vst v8  }
0x5a: {  	v4 =	vmul.f32 v4, v14;
	[tilespmem:s28+$0x3980] =	vst v9  }
0x5b: {  	[tilespmem:s28+$0x4980] =	vst v3  }
0x5c: {  	[tilespmem:s28+$0x4800] =	vst v4;
	_ =	sdelay $0x1  }
0x5d: {  	v6 =	vld [tilespmem:s29+$0x180]  }
0x5e: {  	v7 =	vld [tilespmem:s29+$0x0]  }
0x5f: {  	v8 =	vld [tilespmem:s29+$0x280]  }
0x60: {  	v3 =	vld [tilespmem:s29+$0x80]  }
0x61: {  	v5 =	vld [tilespmem:s29+$0x200]  }
0x62: {  	v9 =	vld [tilespmem:s29+$0x300]  }
0x63: {  	v10 =	vld [tilespmem:s29+$0x100]  }
0x64: {  	v11 =	vld [tilespmem:s29+$0x380]  }
0x65: {  	v4 =	vmul.f32 $1.562500000e-02, v7;
	v13 =	vmul.f32 $1.562500000e-02, v3;
	v18 =	vadd.f32 v6, v3  }
0x66: {  	v12 =	vmul.f32 $1.562500000e-02, v8;
	v3 =	vmul.f32 $1.562500000e-02, v5  }
0x67: {  	v14 =	vmul.f32 v4, v4;
	v17 =	vadd.f32 v9, v5;
	v15 =	vmul.f32 $7.812500000e-03, v18  }
.Ltmp0:
0x68: {  	v5 =	vmul.f32 $1.562500000e-02, v10;
	v19 =	vmul.f32 v3, v3;
	v10 =	vadd.f32 v10, v7;
	(pc) =	sbr.rel @p0 .LBB2_2-.Ltmp0, $4  }
0x69: {  	v20 =	vmul.f32 $1.562500000e-02, v6;
	v16 =	vadd.f32 v11, v8;
	v6 =	vmul.f32 v17, v1  }
0x6a: {  	v8 =	vmul.f32 v5, v5;
	v7 =	vmul.f32 $7.812500000e-03, v10;
	v21 =	vadd.f32 v17, v10  }
0x6b: {  	v12 =	vsub.f32 v12, v19;
	v17 =	vmul.f32 v6, v6;
	v19 =	vadd.f32 v16, v18  }
0x6c: {  	v10 =	vsub.f32 v20, v8;
	v18 =	vmul.f32 v7, v7;
	v8 =	vmul.f32 v21, v2  }
0x6d: {  	v19 =	vmul.f32 v19, v2;
	v16 =	vmul.f32 v16, v1  }
0x6e: {  	v9 =	vmul.f32 v9, v0;
	v11 =	vmul.f32 v11, v0  }
0x6f: {  	v12 =	vmax.f32 v12, $1.000000000e-30;
	v13 =	vsub.f32 v13, v14;
	v10 =	vmax.f32 v10, $1.000000000e-30  }
0x70: {  	v22 =	vmul.f32 v8, v8;
	v15 =	vsub.f32 v15, v18;
	v30 =	vmul.f32 $5.000000000e-01, v12  }
0x71: {  	v31 =	vshra.s32 v12, $0x1;
	v20 =	vshra.s32 v10, $0x1;
	v21 =	vmul.f32 $5.000000000e-01, v10  }
0x72: {  	v16 =	vsub.f32 v16, v17;
	v61 =	vmul.f32 v9, v9;
	v31 =	vsub.s32 $0x5F3759DF, v31  }
0x73: {  	v13 =	vmax.f32 v13, $1.000000000e-30;
	v20 =	vsub.s32 $0x5F3759DF, v20;
	v19 =	vsub.f32 v19, v22  }
0x74: {  	v15 =	vmax.f32 v15, $1.000000000e-30;
	v37 =	vmul.f32 v31, v30;
	v34 =	vmul.f32 $5.000000000e-01, v13  }
0x75: {  	v23 =	vmul.f32 v20, v21;
	v16 =	vmax.f32 v16, $1.000000000e-30;
	v26 =	vshra.s32 v15, $0x1  }
0x76: {  	v29 =	vmul.f32 $5.000000000e-01, v15;
	v11 =	vsub.f32 v11, v61;
	v19 =	vmax.f32 v19, $1.000000000e-30  }
0x77: {  	v24 =	vshra.s32 v16, $0x1;
	v25 =	vmul.f32 $5.000000000e-01, v16;
	v26 =	vsub.s32 $0x5F3759DF, v26  }
0x78: {  	v14 =	vmul.f32 v31, v37;
	v60 =	vmul.f32 v20, v23;
	v62 =	vshra.s32 v19, $0x1  }
0x79: {  	v63 =	vmul.f32 $5.000000000e-01, v19;
	v24 =	vsub.s32 $0x5F3759DF, v24;
	v36 =	vmul.f32 v26, v29  }
0x7a: {  	v11 =	vmax.f32 v11, $1.000000000e-30;
	v18 =	vsub.s32 $0x5F3759DF, v62;
	v35 =	vmul.f32 v24, v25  }
0x7b: {  	v38 =	vmul.f32 $5.000000000e-01, v11;
	v39 =	vshra.s32 v11, $0x1;
	v27 =	vmul.f32 v18, v63  }
0x7c: {  	v17 =	vsub.f32 $1.500000000e+00, v60;
	v22 =	vmul.f32 v26, v36;
	v40 =	vsub.s32 $0x5F3759DF, v39  }
0x7d: {  	v14 =	vsub.f32 $1.500000000e+00, v14;
	v33 =	vmul.f32 v40, v38;
	v27 =	vmul.f32 v18, v27  }
0x7e: {  	v17 =	vmul.f32 v20, v17;
	v20 =	vmul.f32 v24, v35  }
0x7f: {  	v14 =	vmul.f32 v31, v14;
	v22 =	vsub.f32 $1.500000000e+00, v22;
	v27 =	vsub.f32 $1.500000000e+00, v27  }
0x80: {  	v33 =	vmul.f32 v40, v33;
	v28 =	vmul.f32 v17, v21;
	v20 =	vsub.f32 $1.500000000e+00, v20  }
0x81: {  	v44 =	vshra.s32 v13, $0x1;
	v22 =	vmul.f32 v26, v22;
	v18 =	vmul.f32 v18, v27  }
0x82: {  	v31 =	vsub.s32 $0x5F3759DF, v44;
	v28 =	vmul.f32 v28, v17;
	v20 =	vmul.f32 v24, v20  }
0x83: {  	v47 =	vmul.f32 v31, v34;
	v33 =	vsub.f32 $1.500000000e+00, v33;
	v42 =	vmul.f32 v18, v63  }
0x84: {  	v45 =	vmul.f32 v22, v29;
	v28 =	vsub.f32 $1.500000000e+00, v28;
	v32 =	vmul.f32 v20, v25  }
0x85: {  	v27 =	vmul.f32 v40, v33;
	v43 =	vmul.f32 v42, v18  }
0x86: {  	v17 =	vmul.f32 v28, v17;
	v41 =	vmul.f32 v32, v20  }
0x87: {  	v46 =	vmul.f32 v14, v30;
	v48 =	vmul.f32 v27, v38;
	v26 =	vsub.f32 $1.500000000e+00, v43  }
0x88: {  	v32 =	vmul.f32 v45, v22;
	v21 =	vmul.f32 v17, v21;
	v28 =	vsub.f32 $1.500000000e+00, v41  }
0x89: {  	v18 =	vmul.f32 v26, v18;
	v26 =	vmul.f32 v31, v47  }
0x8a: {  	v32 =	vsub.f32 $1.500000000e+00, v32;
	v21 =	vmul.f32 v21, v17;
	v20 =	vmul.f32 v28, v20  }
0x8b: {  	v28 =	vmul.f32 v46, v14;
	v23 =	vmul.f32 v18, v63;
	v26 =	vsub.f32 $1.500000000e+00, v26  }
0x8c: {  	v22 =	vmul.f32 v32, v22;
	v25 =	vmul.f32 v20, v25  }
0x8d: {  	v28 =	vsub.f32 $1.500000000e+00, v28;
	v23 =	vmul.f32 v23, v18;
	v26 =	vmul.f32 v31, v26  }
0x8e: {  	v29 =	vmul.f32 v22, v29;
	v25 =	vmul.f32 v25, v20  }
0x8f: {  	v14 =	vmul.f32 v28, v14;
	v23 =	vsub.f32 $1.500000000e+00, v23;
	v31 =	vmul.f32 v26, v34  }
0x90: {  	v28 =	vmul.f32 v48, v27;
	v29 =	vmul.f32 v29, v22  }
0x91: {  	v25 =	vsub.f32 $1.500000000e+00, v25;
	v18 =	vmul.f32 v23, v18;
	v49 =	vmul.f32 v31, v26  }
0x92: {  	v50 =	vmul.f32 v14, v30;
	v28 =	vsub.f32 $1.500000000e+00, v28;
	v52 =	vsub.f32 $1.500000000e+00, v29  }
0x93: {  	s22 =	sshrl.u32 s22, $0x3;
	v20 =	vmul.f32 v25, v20;
	v18 =	vmul.f32 v18, v19;
	v51 =	vsub.f32 $1.500000000e+00, v49  }
0x94: {  	[tilespmem:s21+$0x0] =	vst v8;
	s28 =	sshll.u32 s22, $0x8;
	v53 =	vmul.f32 v28, v27;
	v55 =	vmul.f32 v52, v22  }
0x95: {  	s29 =	sor.u32 s19, s28;
	v57 =	vmul.f32 v50, v14;
	[tilespmem:s20+$0x0] =	vst v18;
	v54 =	vmul.f32 v51, v26  }
0x96: {  	v56 =	vsub.f32 $1.500000000e+00, v21;
	v16 =	vmul.f32 v20, v16;
	v58 =	vmul.f32 v53, v38;
	[tilespmem:s29+$0x2800] =	vst v7  }
0x97: {  	v15 =	vmul.f32 v55, v15;
	[tilespmem:s29+$0x2880] =	vst v6;
	v59 =	vmul.f32 v54, v34  }
0x98: {  	s30 =	sshll.u32 s22, $0x9;
	v17 =	vmul.f32 v56, v17;
	[tilespmem:s29+$0x3080] =	vst v16;
	v7 =	vmul.f32 v58, v53  }
0x99: {  	s31 =	sor.u32 s19, s30;
	v60 =	vsub.f32 $1.500000000e+00, v57;
	[tilespmem:s29+$0x3000] =	vst v15;
	v6 =	vmul.f32 v59, v54  }
0x9a: {  	v10 =	vmul.f32 v17, v10;
	[tilespmem:s31+$0x3800] =	vst v4;
	v7 =	vsub.f32 $1.500000000e+00, v7  }
0x9b: {  	v14 =	vmul.f32 v60, v14;
	[tilespmem:s31+$0x3880] =	vst v5;
	v61 =	vsub.f32 $1.500000000e+00, v6  }
0x9c: {  	[tilespmem:s31+$0x4880] =	vst v10;
	v63 =	vmul.f32 v7, v53  }
0x9d: {  	v62 =	vmul.f32 v14, v12;
	[tilespmem:s31+$0x3900] =	vst v3;
	v4 =	vmul.f32 v61, v54  }
0x9e: {  	[tilespmem:s31+$0x3980] =	vst v9;
	v3 =	vmul.f32 v63, v11  }
0x9f: {  	[tilespmem:s31+$0x4900] =	vst v62;
	v4 =	vmul.f32 v4, v13  }
0xa0: {  	[tilespmem:s31+$0x4980] =	vst v3  }
0xa1: {  	[tilespmem:s31+$0x4800] =	vst v4  }
0xa2: {  	[hbm4b:s4+s2] =	stream.linear.scatter [tilespmem:s12], [sflag:$0x1], $0x400, $0x38;
	[tilespmem:$0x5800] =	vst v63  }
0xa3: {  	_ = 	snop  }
0xa4: {  	[hbm4b:s5+s2] =	stream.linear.scatter [tilespmem:s13], [sflag:$0x1], $0x400, $0x38;
	[tilespmem:$0x5800] =	vst v63  }
0xa5: {  	_ = 	snop  }
0xa6: {  	[hbm4b:s6+s2] =	stream.linear.scatter [tilespmem:s14], [sflag:$0x1], $0x800, $0x38;
	[tilespmem:$0x5800] =	vst v63  }
0xa7: {  	_ = 	snop  }
0xa8: {  	[hbm4b:s7+s2] =	stream.linear.scatter [tilespmem:s15], [sflag:$0x1], $0x800, $0x38;
	[tilespmem:$0x5800] =	vst v63  }
0xa9: {  	_ = 	snop  }
0xaa: {  	[hbm4b:s8+s2] =	stream.linear.scatter [tilespmem:s16], [sflag:$0x1], $0x1000, $0x38;
	[tilespmem:$0x5800] =	vst v63  }
0xab: {  	_ = 	snop  }
0xac: {  	[hbm4b:s9+s2] =	stream.linear.scatter [tilespmem:s17], [sflag:$0x1], $0x1000, $0x38;
	[tilespmem:$0x5800] =	vst v63  }
0xad: {  	_ =	swait.ge [sflag:s11], $0x400  }
0xae: {  	[sflag:s11] =	ssyncset.done $0x0  }
0xaf: {  	[sflag:s11] =	ssyncadd.s32 $0xFFFFFC00  }
0xb0: {  	_ =	swait.ge [sflag:s11], $0x400  }
0xb1: {  	[sflag:s11] =	ssyncset.done $0x0  }
0xb2: {  	[sflag:s11] =	ssyncadd.s32 $0xFFFFFC00  }
0xb3: {  	_ =	swait.ge [sflag:s11], $0x800  }
0xb4: {  	[sflag:s11] =	ssyncset.done $0x0  }
0xb5: {  	[sflag:s11] =	ssyncadd.s32 $0xFFFFF800  }
0xb6: {  	_ =	swait.ge [sflag:s11], $0x800  }
0xb7: {  	[sflag:s11] =	ssyncset.done $0x0  }
0xb8: {  	s18 =	sadd.s32 $0x1, s18;
	[sflag:s11] =	ssyncadd.s32 $0xFFFFF800  }
0xb9: {  	p0 =	sne.s32 s18, s10;
	_ =	swait.ge [sflag:s11], $0x1000  }
.Ltmp1:
0xba: {  	[sflag:s11] =	ssyncset.done $0x0;
	(pc) =	sbr.rel @p0 .LBB2_1-.Ltmp1, $4  }
0xbb: {  	[sflag:s11] =	ssyncadd.s32 $0xFFFFF000  }
0xbc: {  	_ =	swait.ge [sflag:s11], $0x1000  }
0xbd: {  	[sflag:s11] =	ssyncset.done $0x0  }
0xbe: {  	[sflag:s11] =	ssyncadd.s32 $0xFFFFF000  }
0xbf: {  	_ =	sfence.sel $0x180000  }
0xc0: {  	[bflag:$0x0] =	sbarrier.arrive $0xFFFF  }
0xc1: {  	p0 =	sne.s32 s1, $0x0;
	_ =	strace $0x90000047  }
0xc2: {  	s0 =	sadd.s32 @!p0 $0x100000, s0;
	[bflag:$0x2] =	sbarrier.arrive $0xFFFF  }
0xc3: {  	[sflag:s0] =	ssyncadd.tile.s32 @!p0 $0x1;
	_ =	shalt  }
.Lfunc_end2:
_tile_overlayer_lowered:
.L_overlay_start_2:
0xc4: {  	(tag) =	ssettag $0x2  }
0xc5: {  	s0 =	rddreg [dreg:$0x0];
	s2 =	stileid.u32  }
0xc6: {  	s1 =	rddreg [dreg:$0x1];
	p0 =	sne.s32 s2, $0x0  }
0xc7: {  	s3 =	rddreg [dreg:$0x2];
	[bflag:$0x3] =	sbarrier.arrive $0xFFFF;
	s2 =	simm.s32 @!p0 $0x1C02  }
0xc8: {  	[timem:s3], [sflag:s2] =	dma.local @!p0 [hbm:s0], s1  }
0xc9: {  	s0 =	simm.s32 @!p0 $0x2  }
0xca: {  	_ =	swait.ge @!p0 [sflag:s0], s1  }
0xcb: {  	s1 =	ssub.s32 @!p0 $0x0, s1;
	[sflag:s0] =	ssyncset.done @!p0 $0x0  }
0xcc: {  	[sflag:s0] =	ssyncadd.s32 @!p0 s1  }
0xcd: {  	[bflag:$0x3] =	sbarrier.arrive $0xFFFF  }
0xce: {  	_ =	shalt  }

</sc_bundles>
